<compile_context>
chip_gen: v7x
topology: tpu7x:2x2x1
jax: 0.10.2.dev20260603
libtpu: 0.0.44.dev20260713+nightly
codegen_flags: <defaults>
</compile_context>

<pallas_src>
import functools

import jax
import jax.numpy as jnp
from jax import lax
from jax.experimental import pallas as pl
from jax.experimental.pallas import tpu as pltpu
from jax.experimental.pallas import tpu_sc as plsc

N = 10000
E = 160000
D = 256
H = 128
LANES = 16
NC = 2
NS = 16
CH = 128
E_PAD = 163840
ZROWS = 10240
RB = 1000

_mesh = plsc.VectorSubcoreMesh(core_axis_name="c", subcore_axis_name="s")


@functools.partial(
    pl.kernel,
    out_type=jax.ShapeDtypeStruct((NC * ZROWS, LANES), jnp.float32),
    mesh=_mesh,
    scratch_types=[
        pltpu.VMEM_SHARED((ZROWS, LANES), jnp.float32),
        pltpu.VMEM((CH, LANES), jnp.float32),
        pltpu.VMEM((CH, LANES), jnp.float32),
        pltpu.VMEM((CH,), jnp.int32),
    ],
)
def _deg_kernel(dst_hbm, degp_hbm, acc, ones_v, zero_v, didx_v):
    cid = lax.axis_index("c")
    tid = lax.axis_index("s")

    def fill(i, carry):
        ones_v[i, :] = jnp.full((LANES,), 1.0, jnp.float32)
        zero_v[i, :] = jnp.zeros((LANES,), jnp.float32)
        return carry

    lax.fori_loop(0, CH, fill, 0)

    rows_per_tile = ZROWS // NS
    for k in range(rows_per_tile // CH):
        pltpu.sync_copy(zero_v, acc.at[pl.ds(tid * rows_per_tile + k * CH, CH)])
    plsc.subcore_barrier()

    per_worker = E_PAD // (NC * NS)
    ebase = (cid * NS + tid) * per_worker

    def chunk(k, carry):
        pltpu.sync_copy(dst_hbm.at[pl.ds(ebase + k * CH, CH)], didx_v)
        pltpu.sync_copy(ones_v, acc.at[didx_v], add=True)
        return carry

    lax.fori_loop(0, per_worker // CH, chunk, 0)
    plsc.subcore_barrier()

    out_rows = ZROWS // NS
    pltpu.sync_copy(
        acc.at[pl.ds(tid * out_rows, out_rows)],
        degp_hbm.at[pl.ds(cid * ZROWS + tid * out_rows, out_rows)],
    )


@functools.partial(
    pl.kernel,
    out_type=jax.ShapeDtypeStruct((NC * ZROWS, H), jnp.float32),
    mesh=_mesh,
    scratch_types=[
        pltpu.VMEM_SHARED((ZROWS, H), jnp.float32),
        pltpu.VMEM((CH, H), jnp.float32),
        pltpu.VMEM((CH,), jnp.int32),
        pltpu.VMEM((CH,), jnp.int32),
        pltpu.SemaphoreType.DMA,
    ],
)
def _agg_kernel(y_hbm, srcs_hbm, dst_hbm, z_hbm, acc, rows_v, sidx_v, didx_v, sem):
    cid = lax.axis_index("c")
    tid = lax.axis_index("s")

    def zfill(i, carry):
        for j in range(H // LANES):
            rows_v[i, pl.ds(j * LANES, LANES)] = jnp.zeros((LANES,), jnp.float32)
        return carry

    lax.fori_loop(0, CH, zfill, 0)

    rows_per_tile = ZROWS // NS
    for k in range(rows_per_tile // CH):
        pltpu.sync_copy(rows_v, acc.at[pl.ds(tid * rows_per_tile + k * CH, CH)])
    plsc.subcore_barrier()

    per_tile = E_PAD // NS
    ebase = tid * per_tile
    sbase = cid * E_PAD + ebase

    def chunk(k, carry):
        pltpu.sync_copy(srcs_hbm.at[pl.ds(sbase + k * CH, CH)], sidx_v)
        pltpu.sync_copy(dst_hbm.at[pl.ds(ebase + k * CH, CH)], didx_v)
        pltpu.async_copy(y_hbm.at[sidx_v], rows_v, sem).wait()
        pltpu.sync_copy(rows_v, acc.at[didx_v], add=True)
        return carry

    lax.fori_loop(0, per_tile // CH, chunk, 0)
    plsc.subcore_barrier()

    out_rows = ZROWS // NS
    pltpu.sync_copy(
        acc.at[pl.ds(tid * out_rows, out_rows)],
        z_hbm.at[pl.ds(cid * ZROWS + tid * out_rows, out_rows)],
    )


def _dinv_block(dp):
    deg = dp[0, :, 0] + dp[1, :, 0] + 1.0
    return lax.rsqrt(deg)


def _mm1_body(x_ref, w_ref, dp_ref, y_ref):
    dinv = _dinv_block(dp_ref[...])
    xw = jnp.dot(x_ref[...], w_ref[...], preferred_element_type=jnp.float32)
    y = xw * dinv[:, None]
    y_ref[0] = y[:, :H]
    y_ref[1] = y[:, H:]


def _mm2_body(z_ref, y_ref, dp_ref, b_ref, w_ref, y2_ref):
    dinv = _dinv_block(dp_ref[...])[:, None]
    h0 = jnp.maximum(dinv * (z_ref[0] + y_ref[0]) + b_ref[0, :H], 0.0)
    h1 = jnp.maximum(dinv * (z_ref[1] + y_ref[1]) + b_ref[0, H:], 0.0)
    h = jnp.concatenate([h0, h1], axis=1)
    xw = jnp.dot(h, w_ref[...], preferred_element_type=jnp.float32)
    y2 = xw * dinv
    y2_ref[0] = y2[:, :H]
    y2_ref[1] = y2[:, H:]


def _epi_body(z_ref, y_ref, dp_ref, b_ref, out_ref):
    dinv = _dinv_block(dp_ref[...])[:, None]
    out_ref[:, :H] = jnp.maximum(dinv * (z_ref[0] + y_ref[0]) + b_ref[0, :H], 0.0)
    out_ref[:, H:] = jnp.maximum(dinv * (z_ref[1] + y_ref[1]) + b_ref[0, H:], 0.0)


_halves_spec = pl.BlockSpec((2, RB, H), lambda i: (0, i, 0))
_dp_spec = pl.BlockSpec((2, RB, LANES), lambda i: (0, i, 0))
_w_spec = pl.BlockSpec((D, D), lambda i: (0, 0))
_b_spec = pl.BlockSpec((1, D), lambda i: (0, 0))

_mm1 = pl.pallas_call(
    _mm1_body,
    grid=(N // RB,),
    in_specs=[pl.BlockSpec((RB, D), lambda i: (i, 0)), _w_spec, _dp_spec],
    out_specs=_halves_spec,
    out_shape=jax.ShapeDtypeStruct((2, N, H), jnp.float32),
)

_mm2 = pl.pallas_call(
    _mm2_body,
    grid=(N // RB,),
    in_specs=[_halves_spec, _halves_spec, _dp_spec, _b_spec, _w_spec],
    out_specs=_halves_spec,
    out_shape=jax.ShapeDtypeStruct((2, N, H), jnp.float32),
)

_epi = pl.pallas_call(
    _epi_body,
    grid=(N // RB,),
    in_specs=[_halves_spec, _halves_spec, _dp_spec, _b_spec],
    out_specs=pl.BlockSpec((RB, D), lambda i: (i, 0)),
    out_shape=jax.ShapeDtypeStruct((N, D), jnp.float32),
)


def kernel(x, edge_index, W1, b1, W2, b2):
    ei = edge_index.astype(jnp.int32)
    pad = E_PAD - E
    src_p = jnp.concatenate([ei[0], jnp.zeros((pad,), jnp.int32)])
    dst_p = jnp.concatenate([ei[1], jnp.full((pad,), N, jnp.int32)])
    srcs2 = jnp.concatenate([src_p, src_p + N])

    degp = _deg_kernel(dst_p).reshape(NC, ZROWS, LANES)
    b1r = b1.reshape(1, D)
    b2r = b2.reshape(1, D)

    y1 = _mm1(x, W1, degp)
    z1 = _agg_kernel(y1.reshape(NC * N, H), srcs2, dst_p).reshape(NC, ZROWS, H)
    y2 = _mm2(z1, y1, degp, b1r, W2)
    z2 = _agg_kernel(y2.reshape(NC * N, H), srcs2, dst_p).reshape(NC, ZROWS, H)
    return _epi(z2, y2, degp, b2r)

# --- scband reference (transcript-rebuilt; emitter-appended) ---
"""Pipeline reference for scband-gcnspatial-encoder-9053791060566 (READ-ONLY COPY).

The authoritative reference and input builder live on the scoring server;
editing this copy changes nothing except your own understanding.
"""

import jax, jax.numpy as jnp
import numpy as np

N_NODES = 10000
N_EDGES = 160000
D_IN = 256
D_OUT = 256


def setup_inputs(seed: int = 0) -> dict:
    key = jax.random.key(seed)
    k1, k2, k3, k4, k5 = jax.random.split(key, 5)
    x = jax.random.normal(k1, (N_NODES, D_IN), dtype=jnp.float32)
    edge_index = jax.random.randint(k2, (2, N_EDGES), 0, N_NODES, dtype=jnp.int64)
    # GCNConv learned params (PyG: lin weight [in, out] applied as x @ W, plus bias)
    s1 = (6.0 / (D_IN + D_OUT)) ** 0.5
    W1 = jax.random.uniform(k3, (D_IN, D_OUT), dtype=jnp.float32, minval=-s1, maxval=s1)
    b1 = jnp.zeros((D_OUT,), dtype=jnp.float32)
    s2 = (6.0 / (D_OUT + D_OUT)) ** 0.5
    W2 = jax.random.uniform(k4, (D_OUT, D_OUT), dtype=jnp.float32, minval=-s2, maxval=s2)
    b2 = jnp.zeros((D_OUT,), dtype=jnp.float32)
    return {"x": x, "edge_index": edge_index, "W1": W1, "b1": b1, "W2": W2, "b2": b2}


def _gcn_conv(x, edge_index, W, b, num_nodes):
    # Faithful PyG GCNConv: add self-loops, symmetric normalization D^-1/2 (A+I) D^-1/2,
    # linear transform, scatter-add aggregation at target nodes (edge_index[1]).
    src = edge_index[0]
    dst = edge_index[1]
    loop = jnp.arange(num_nodes, dtype=src.dtype)
    src = jnp.concatenate([src, loop], axis=0)
    dst = jnp.concatenate([dst, loop], axis=0)
    ew = jnp.ones(src.shape[0], dtype=x.dtype)
    deg = jax.ops.segment_sum(ew, dst, num_segments=num_nodes)
    deg_inv_sqrt = jnp.where(deg > 0, deg ** -0.5, 0.0)
    norm = deg_inv_sqrt[src] * ew * deg_inv_sqrt[dst]
    xw = x @ W
    msgs = jnp.take(xw, src, axis=0) * norm[:, None]
    out = jax.ops.segment_sum(msgs, dst, num_segments=num_nodes)
    return out + b


def reference(x, edge_index, W1, b1, W2, b2):
    h = jax.nn.relu(_gcn_conv(x, edge_index, W1, b1, N_NODES))
    h = jax.nn.relu(_gcn_conv(h, edge_index, W2, b2, N_NODES))
    return h

if __name__ == "__main__":
    import jax
    _d = setup_inputs()
    print(jax.jit(kernel)(*tuple(_d.values())))

</pallas_src>

<mosaic_0001>
#map = affine_map<(d0, d1) -> (0)>
#map1 = affine_map<(d0, d1) -> (0, 0)>
module attributes {stable_mosaic.version = 14 : i64} {
  func.func @_deg_kernel(%arg0: i32, %arg1: i32, %arg2: memref<163840xi32, #tpu.memory_space<hbm>>, %arg3: memref<20480x16xf32, #tpu.memory_space<hbm>>, %arg4: memref<10240x16xf32, #tpu.memory_space<vmem_shared>>, %arg5: memref<128x16xf32, #tpu.memory_space<vmem>>, %arg6: memref<128x16xf32, #tpu.memory_space<vmem>>, %arg7: memref<128xi32, #tpu.memory_space<vmem>>) attributes {dimension_semantics = [#tpu.dimension_semantics<core_parallel>, #tpu.dimension_semantics<subcore_parallel>], iteration_bounds = array<i64: 2, 16>, scalar_prefetch = 0 : i64, scratch_operands = 4 : i64, tpu.core_type = #tpu.core_type<sc_vector_subcore>, window_params = [{transform_indices = #map}, {transform_indices = #map1}]} {
    %scan3A = arith.constant 0 : i32
    %scan3A_0 = arith.constant 0 : i32
    %scan3A_1 = arith.constant 128 : i32
    %scan3A_2 = arith.addi %scan3A_0, %scan3A_1 : i32
    %scan3A_3 = arith.constant 1 : i32
    scf.for %scan3A_42 = %scan3A_0 to %scan3A_2 step %scan3A_3  : i32 {
      %broadcast_in_dim3A = arith.constant 1.000000e+00 : f32
      %broadcast_in_dim3A_43 = vector.broadcast %broadcast_in_dim3A : f32 to vector<16xf32>
      %swap3A = arith.index_cast %scan3A_42 : i32 to index
      %swap3A_44 = arith.constant 0 : index
      %swap3A_45 = tpu.vector_load %arg5[%swap3A, %swap3A_44] {strides = array<i32>} : memref<128x16xf32, #tpu.memory_space<vmem>>, vector<1x16xf32>,
      %swap3A_46 = vector.shape_cast %swap3A_45 : vector<1x16xf32> to vector<16xf32>
      %swap3A_47 = vector.shape_cast %broadcast_in_dim3A_43 : vector<16xf32> to vector<1x16xf32>
      tpu.vector_store %arg5[%swap3A, %swap3A_44], %swap3A_47 {strides = array<i32>} : memref<128x16xf32, #tpu.memory_space<vmem>>, vector<1x16xf32>,
      %broadcast_in_dim3A_48 = arith.constant 0.000000e+00 : f32
      %broadcast_in_dim3A_49 = vector.broadcast %broadcast_in_dim3A_48 : f32 to vector<16xf32>
      %swap3A_50 = arith.index_cast %scan3A_42 : i32 to index
      %swap3A_51 = arith.constant 0 : index
      %swap3A_52 = tpu.vector_load %arg6[%swap3A_50, %swap3A_51] {strides = array<i32>} : memref<128x16xf32, #tpu.memory_space<vmem>>, vector<1x16xf32>,
      %swap3A_53 = vector.shape_cast %swap3A_52 : vector<1x16xf32> to vector<16xf32>
      %swap3A_54 = vector.shape_cast %broadcast_in_dim3A_49 : vector<16xf32> to vector<1x16xf32>
      tpu.vector_store %arg6[%swap3A_50, %swap3A_51], %swap3A_54 {strides = array<i32>} : memref<128x16xf32, #tpu.memory_space<vmem>>, vector<1x16xf32>,
    }
    %scan3A_4 = arith.constant 128 : i32
    %mul3A = arith.constant 640 : i32
    %mul3A_5 = arith.muli %arg1, %mul3A : i32
    %add3A = arith.constant 0 : i32
    %add3A_6 = arith.addi %mul3A_5, %add3A : i32
    "tpu.region"() ({
      %run_scoped3A = tpu.sem_alloc : memref<!tpu.dma_semaphore, #tpu.memory_space<semaphore_mem>>
      %dma_start3A = arith.constant 0 : i32
      %dma_start3A_42 = tpu.memref_slice %arg4[%add3A_6, %dma_start3A] : memref<10240x16xf32, #tpu.memory_space<vmem_shared>> -> memref<128x16xf32, #tpu.memory_space<vmem_shared>>
      %dma_start3A_43 = arith.constant 0 : i32
      %dma_start3A_44 = tpu.memref_slice %arg4[%add3A_6, %dma_start3A_43] : memref<10240x16xf32, #tpu.memory_space<vmem_shared>> -> memref<128x16xf32, #tpu.memory_space<vmem_shared>>
      tpu.enqueue_dma source(%arg6 : memref<128x16xf32, #tpu.memory_space<vmem>>) target(%dma_start3A_44 : memref<128x16xf32, #tpu.memory_space<vmem_shared>>) target_semaphore(%run_scoped3A : memref<!tpu.dma_semaphore, #tpu.memory_space<semaphore_mem>>)
      %dma_wait3A = arith.constant 0 : i32
      %dma_wait3A_45 = tpu.memref_slice %arg4[%add3A_6, %dma_wait3A] : memref<10240x16xf32, #tpu.memory_space<vmem_shared>> -> memref<128x16xf32, #tpu.memory_space<vmem_shared>>
      %dma_wait3A_46 = arith.constant 0 : i32
      %dma_wait3A_47 = tpu.memref_slice %arg4[%add3A_6, %dma_wait3A_46] : memref<10240x16xf32, #tpu.memory_space<vmem_shared>> -> memref<128x16xf32, #tpu.memory_space<vmem_shared>>
      tpu.wait_dma2 semaphore(%run_scoped3A : memref<!tpu.dma_semaphore, #tpu.memory_space<semaphore_mem>>) src(%arg6 : memref<128x16xf32, #tpu.memory_space<vmem>>) dst(%dma_wait3A_47 : memref<128x16xf32, #tpu.memory_space<vmem_shared>>)
      tpu.yield
    }) : () -> ()
    %mul3A_7 = arith.constant 640 : i32
    %mul3A_8 = arith.muli %arg1, %mul3A_7 : i32
    %add3A_9 = arith.constant 128 : i32
    %add3A_10 = arith.addi %mul3A_8, %add3A_9 : i32
    "tpu.region"() ({
      %run_scoped3A = tpu.sem_alloc : memref<!tpu.dma_semaphore, #tpu.memory_space<semaphore_mem>>
      %dma_start3A = arith.constant 0 : i32
      %dma_start3A_42 = tpu.memref_slice %arg4[%add3A_10, %dma_start3A] : memref<10240x16xf32, #tpu.memory_space<vmem_shared>> -> memref<128x16xf32, #tpu.memory_space<vmem_shared>>
      %dma_start3A_43 = arith.constant 0 : i32
      %dma_start3A_44 = tpu.memref_slice %arg4[%add3A_10, %dma_start3A_43] : memref<10240x16xf32, #tpu.memory_space<vmem_shared>> -> memref<128x16xf32, #tpu.memory_space<vmem_shared>>
      tpu.enqueue_dma source(%arg6 : memref<128x16xf32, #tpu.memory_space<vmem>>) target(%dma_start3A_44 : memref<128x16xf32, #tpu.memory_space<vmem_shared>>) target_semaphore(%run_scoped3A : memref<!tpu.dma_semaphore, #tpu.memory_space<semaphore_mem>>)
      %dma_wait3A = arith.constant 0 : i32
      %dma_wait3A_45 = tpu.memref_slice %arg4[%add3A_10, %dma_wait3A] : memref<10240x16xf32, #tpu.memory_space<vmem_shared>> -> memref<128x16xf32, #tpu.memory_space<vmem_shared>>
      %dma_wait3A_46 = arith.constant 0 : i32
      %dma_wait3A_47 = tpu.memref_slice %arg4[%add3A_10, %dma_wait3A_46] : memref<10240x16xf32, #tpu.memory_space<vmem_shared>> -> memref<128x16xf32, #tpu.memory_space<vmem_shared>>
      tpu.wait_dma2 semaphore(%run_scoped3A : memref<!tpu.dma_semaphore, #tpu.memory_space<semaphore_mem>>) src(%arg6 : memref<128x16xf32, #tpu.memory_space<vmem>>) dst(%dma_wait3A_47 : memref<128x16xf32, #tpu.memory_space<vmem_shared>>)
      tpu.yield
    }) : () -> ()
    %mul3A_11 = arith.constant 640 : i32
    %mul3A_12 = arith.muli %arg1, %mul3A_11 : i32
    %add3A_13 = arith.constant 256 : i32
    %add3A_14 = arith.addi %mul3A_12, %add3A_13 : i32
    "tpu.region"() ({
      %run_scoped3A = tpu.sem_alloc : memref<!tpu.dma_semaphore, #tpu.memory_space<semaphore_mem>>
      %dma_start3A = arith.constant 0 : i32
      %dma_start3A_42 = tpu.memref_slice %arg4[%add3A_14, %dma_start3A] : memref<10240x16xf32, #tpu.memory_space<vmem_shared>> -> memref<128x16xf32, #tpu.memory_space<vmem_shared>>
      %dma_start3A_43 = arith.constant 0 : i32
      %dma_start3A_44 = tpu.memref_slice %arg4[%add3A_14, %dma_start3A_43] : memref<10240x16xf32, #tpu.memory_space<vmem_shared>> -> memref<128x16xf32, #tpu.memory_space<vmem_shared>>
      tpu.enqueue_dma source(%arg6 : memref<128x16xf32, #tpu.memory_space<vmem>>) target(%dma_start3A_44 : memref<128x16xf32, #tpu.memory_space<vmem_shared>>) target_semaphore(%run_scoped3A : memref<!tpu.dma_semaphore, #tpu.memory_space<semaphore_mem>>)
      %dma_wait3A = arith.constant 0 : i32
      %dma_wait3A_45 = tpu.memref_slice %arg4[%add3A_14, %dma_wait3A] : memref<10240x16xf32, #tpu.memory_space<vmem_shared>> -> memref<128x16xf32, #tpu.memory_space<vmem_shared>>
      %dma_wait3A_46 = arith.constant 0 : i32
      %dma_wait3A_47 = tpu.memref_slice %arg4[%add3A_14, %dma_wait3A_46] : memref<10240x16xf32, #tpu.memory_space<vmem_shared>> -> memref<128x16xf32, #tpu.memory_space<vmem_shared>>
      tpu.wait_dma2 semaphore(%run_scoped3A : memref<!tpu.dma_semaphore, #tpu.memory_space<semaphore_mem>>) src(%arg6 : memref<128x16xf32, #tpu.memory_space<vmem>>) dst(%dma_wait3A_47 : memref<128x16xf32, #tpu.memory_space<vmem_shared>>)
      tpu.yield
    }) : () -> ()
    %mul3A_15 = arith.constant 640 : i32
    %mul3A_16 = arith.muli %arg1, %mul3A_15 : i32
    %add3A_17 = arith.constant 384 : i32
    %add3A_18 = arith.addi %mul3A_16, %add3A_17 : i32
    "tpu.region"() ({
      %run_scoped3A = tpu.sem_alloc : memref<!tpu.dma_semaphore, #tpu.memory_space<semaphore_mem>>
      %dma_start3A = arith.constant 0 : i32
      %dma_start3A_42 = tpu.memref_slice %arg4[%add3A_18, %dma_start3A] : memref<10240x16xf32, #tpu.memory_space<vmem_shared>> -> memref<128x16xf32, #tpu.memory_space<vmem_shared>>
      %dma_start3A_43 = arith.constant 0 : i32
      %dma_start3A_44 = tpu.memref_slice %arg4[%add3A_18, %dma_start3A_43] : memref<10240x16xf32, #tpu.memory_space<vmem_shared>> -> memref<128x16xf32, #tpu.memory_space<vmem_shared>>
      tpu.enqueue_dma source(%arg6 : memref<128x16xf32, #tpu.memory_space<vmem>>) target(%dma_start3A_44 : memref<128x16xf32, #tpu.memory_space<vmem_shared>>) target_semaphore(%run_scoped3A : memref<!tpu.dma_semaphore, #tpu.memory_space<semaphore_mem>>)
      %dma_wait3A = arith.constant 0 : i32
      %dma_wait3A_45 = tpu.memref_slice %arg4[%add3A_18, %dma_wait3A] : memref<10240x16xf32, #tpu.memory_space<vmem_shared>> -> memref<128x16xf32, #tpu.memory_space<vmem_shared>>
      %dma_wait3A_46 = arith.constant 0 : i32
      %dma_wait3A_47 = tpu.memref_slice %arg4[%add3A_18, %dma_wait3A_46] : memref<10240x16xf32, #tpu.memory_space<vmem_shared>> -> memref<128x16xf32, #tpu.memory_space<vmem_shared>>
      tpu.wait_dma2 semaphore(%run_scoped3A : memref<!tpu.dma_semaphore, #tpu.memory_space<semaphore_mem>>) src(%arg6 : memref<128x16xf32, #tpu.memory_space<vmem>>) dst(%dma_wait3A_47 : memref<128x16xf32, #tpu.memory_space<vmem_shared>>)
      tpu.yield
    }) : () -> ()
    %mul3A_19 = arith.constant 640 : i32
    %mul3A_20 = arith.muli %arg1, %mul3A_19 : i32
    %add3A_21 = arith.constant 512 : i32
    %add3A_22 = arith.addi %mul3A_20, %add3A_21 : i32
    "tpu.region"() ({
      %run_scoped3A = tpu.sem_alloc : memref<!tpu.dma_semaphore, #tpu.memory_space<semaphore_mem>>
      %dma_start3A = arith.constant 0 : i32
      %dma_start3A_42 = tpu.memref_slice %arg4[%add3A_22, %dma_start3A] : memref<10240x16xf32, #tpu.memory_space<vmem_shared>> -> memref<128x16xf32, #tpu.memory_space<vmem_shared>>
      %dma_start3A_43 = arith.constant 0 : i32
      %dma_start3A_44 = tpu.memref_slice %arg4[%add3A_22, %dma_start3A_43] : memref<10240x16xf32, #tpu.memory_space<vmem_shared>> -> memref<128x16xf32, #tpu.memory_space<vmem_shared>>
      tpu.enqueue_dma source(%arg6 : memref<128x16xf32, #tpu.memory_space<vmem>>) target(%dma_start3A_44 : memref<128x16xf32, #tpu.memory_space<vmem_shared>>) target_semaphore(%run_scoped3A : memref<!tpu.dma_semaphore, #tpu.memory_space<semaphore_mem>>)
      %dma_wait3A = arith.constant 0 : i32
      %dma_wait3A_45 = tpu.memref_slice %arg4[%add3A_22, %dma_wait3A] : memref<10240x16xf32, #tpu.memory_space<vmem_shared>> -> memref<128x16xf32, #tpu.memory_space<vmem_shared>>
      %dma_wait3A_46 = arith.constant 0 : i32
      %dma_wait3A_47 = tpu.memref_slice %arg4[%add3A_22, %dma_wait3A_46] : memref<10240x16xf32, #tpu.memory_space<vmem_shared>> -> memref<128x16xf32, #tpu.memory_space<vmem_shared>>
      tpu.wait_dma2 semaphore(%run_scoped3A : memref<!tpu.dma_semaphore, #tpu.memory_space<semaphore_mem>>) src(%arg6 : memref<128x16xf32, #tpu.memory_space<vmem>>) dst(%dma_wait3A_47 : memref<128x16xf32, #tpu.memory_space<vmem_shared>>)
      tpu.yield
    }) : () -> ()
    %barrier3A = arith.constant 0 : index
    tpu.barrier barrier_id(%barrier3A)
    %mul3A_23 = arith.constant 16 : i32
    %mul3A_24 = arith.muli %arg0, %mul3A_23 : i32
    %add3A_25 = arith.addi %mul3A_24, %arg1 : i32
    %mul3A_26 = arith.constant 5120 : i32
    %mul3A_27 = arith.muli %add3A_25, %mul3A_26 : i32
    %scan3A_28 = arith.constant 0 : i32
    %scan3A_29 = arith.constant 0 : i32
    %scan3A_30 = arith.constant 40 : i32
    %scan3A_31 = arith.addi %scan3A_29, %scan3A_30 : i32
    %scan3A_32 = arith.constant 1 : i32
    scf.for %scan3A_42 = %scan3A_29 to %scan3A_31 step %scan3A_32  : i32 {
      %mul3A_43 = arith.constant 128 : i32
      %mul3A_44 = arith.muli %scan3A_42, %mul3A_43 : i32
      %add3A_45 = arith.addi %mul3A_27, %mul3A_44 : i32
      "tpu.region"() ({
        %run_scoped3A = tpu.sem_alloc : memref<!tpu.dma_semaphore, #tpu.memory_space<semaphore_mem>>
        %dma_start3A = tpu.memref_slice %arg2[%add3A_45] : memref<163840xi32, #tpu.memory_space<hbm>> -> memref<128xi32, #tpu.memory_space<hbm>>
        %dma_start3A_46 = tpu.memref_slice %arg2[%add3A_45] : memref<163840xi32, #tpu.memory_space<hbm>> -> memref<128xi32, #tpu.memory_space<hbm>>
        tpu.enqueue_dma source(%dma_start3A_46 : memref<128xi32, #tpu.memory_space<hbm>>) target(%arg7 : memref<128xi32, #tpu.memory_space<vmem>>) target_semaphore(%run_scoped3A : memref<!tpu.dma_semaphore, #tpu.memory_space<semaphore_mem>>)
        %dma_wait3A = tpu.memref_slice %arg2[%add3A_45] : memref<163840xi32, #tpu.memory_space<hbm>> -> memref<128xi32, #tpu.memory_space<hbm>>
        %dma_wait3A_47 = tpu.memref_slice %arg2[%add3A_45] : memref<163840xi32, #tpu.memory_space<hbm>> -> memref<128xi32, #tpu.memory_space<hbm>>
        tpu.wait_dma2 semaphore(%run_scoped3A : memref<!tpu.dma_semaphore, #tpu.memory_space<semaphore_mem>>) src(%dma_wait3A_47 : memref<128xi32, #tpu.memory_space<hbm>>) dst(%arg7 : memref<128xi32, #tpu.memory_space<vmem>>)
        tpu.yield
      }) : () -> ()
      "tpu.region"() ({
        %run_scoped3A = tpu.sem_alloc : memref<!tpu.dma_semaphore, #tpu.memory_space<semaphore_mem>>
        %dma_start3A = arith.constant 0 : i32
        %dma_start3A_46 = arith.constant 0 : i32
        %dma_start3A_47 = tpu.memref_slice %arg4[%dma_start3A, %dma_start3A_46] : memref<10240x16xf32, #tpu.memory_space<vmem_shared>> -> memref<10240x16xf32, #tpu.memory_space<vmem_shared>>
        tpu.enqueue_indirect_dma source(%arg5 : memref<128x16xf32, #tpu.memory_space<vmem>>) target(%dma_start3A_47 : memref<10240x16xf32, #tpu.memory_space<vmem_shared>>) offsets(%arg7 : memref<128xi32, #tpu.memory_space<vmem>>) semaphore(%run_scoped3A : memref<!tpu.dma_semaphore, #tpu.memory_space<semaphore_mem>>) {add = true}
        %dma_wait3A = arith.constant 0 : i32
        %dma_wait3A_48 = arith.constant 0 : i32
        %dma_wait3A_49 = tpu.memref_slice %arg4[%dma_wait3A, %dma_wait3A_48] : memref<10240x16xf32, #tpu.memory_space<vmem_shared>> -> memref<10240x16xf32, #tpu.memory_space<vmem_shared>>
        tpu.wait_indirect_dma semaphore(%run_scoped3A : memref<!tpu.dma_semaphore, #tpu.memory_space<semaphore_mem>>) src(%arg5 : memref<128x16xf32, #tpu.memory_space<vmem>>) dst(%dma_wait3A_49 : memref<10240x16xf32, #tpu.memory_space<vmem_shared>>)
        tpu.yield
      }) : () -> ()
    }
    %scan3A_33 = arith.constant 40 : i32
    %barrier3A_34 = arith.constant 0 : index
    tpu.barrier barrier_id(%barrier3A_34)
    %mul3A_35 = arith.constant 640 : i32
    %mul3A_36 = arith.muli %arg1, %mul3A_35 : i32
    %mul3A_37 = arith.constant 10240 : i32
    %mul3A_38 = arith.muli %arg0, %mul3A_37 : i32
    %mul3A_39 = arith.constant 640 : i32
    %mul3A_40 = arith.muli %arg1, %mul3A_39 : i32
    %add3A_41 = arith.addi %mul3A_38, %mul3A_40 : i32
    "tpu.region"() ({
      %run_scoped3A = tpu.sem_alloc : memref<!tpu.dma_semaphore, #tpu.memory_space<semaphore_mem>>
      %dma_start3A = arith.constant 0 : i32
      %dma_start3A_42 = tpu.memref_slice %arg3[%add3A_41, %dma_start3A] : memref<20480x16xf32, #tpu.memory_space<hbm>> -> memref<640x16xf32, #tpu.memory_space<hbm>>
      %dma_start3A_43 = arith.constant 0 : i32
      %dma_start3A_44 = tpu.memref_slice %arg4[%mul3A_36, %dma_start3A_43] : memref<10240x16xf32, #tpu.memory_space<vmem_shared>> -> memref<640x16xf32, #tpu.memory_space<vmem_shared>>
      tpu.enqueue_dma source(%dma_start3A_44 : memref<640x16xf32, #tpu.memory_space<vmem_shared>>) target(%dma_start3A_42 : memref<640x16xf32, #tpu.memory_space<hbm>>) target_semaphore(%run_scoped3A : memref<!tpu.dma_semaphore, #tpu.memory_space<semaphore_mem>>)
      %dma_wait3A = arith.constant 0 : i32
      %dma_wait3A_45 = tpu.memref_slice %arg3[%add3A_41, %dma_wait3A] : memref<20480x16xf32, #tpu.memory_space<hbm>> -> memref<640x16xf32, #tpu.memory_space<hbm>>
      %dma_wait3A_46 = arith.constant 0 : i32
      %dma_wait3A_47 = tpu.memref_slice %arg4[%mul3A_36, %dma_wait3A_46] : memref<10240x16xf32, #tpu.memory_space<vmem_shared>> -> memref<640x16xf32, #tpu.memory_space<vmem_shared>>
      tpu.wait_dma2 semaphore(%run_scoped3A : memref<!tpu.dma_semaphore, #tpu.memory_space<semaphore_mem>>) src(%dma_wait3A_47 : memref<640x16xf32, #tpu.memory_space<vmem_shared>>) dst(%dma_wait3A_45 : memref<640x16xf32, #tpu.memory_space<hbm>>)
      tpu.yield
    }) : () -> ()
    return
  }
}

#map = affine_map<(d0, d1) -> (0, 0)>
#map1 = affine_map<(d0, d1) -> (0)>
module attributes {stable_mosaic.version = 14 : i64} {
  func.func @_agg_kernel(%arg0: i32, %arg1: i32, %arg2: memref<20000x128xf32, #tpu.memory_space<hbm>>, %arg3: memref<327680xi32, #tpu.memory_space<hbm>>, %arg4: memref<163840xi32, #tpu.memory_space<hbm>>, %arg5: memref<20480x128xf32, #tpu.memory_space<hbm>>, %arg6: memref<10240x128xf32, #tpu.memory_space<vmem_shared>>, %arg7: memref<128x128xf32, #tpu.memory_space<vmem>>, %arg8: memref<128xi32, #tpu.memory_space<vmem>>, %arg9: memref<128xi32, #tpu.memory_space<vmem>>, %arg10: memref<!tpu.dma_semaphore, #tpu.memory_space<semaphore_mem>>) attributes {dimension_semantics = [#tpu.dimension_semantics<core_parallel>, #tpu.dimension_semantics<subcore_parallel>], iteration_bounds = array<i64: 2, 16>, scalar_prefetch = 0 : i64, scratch_operands = 5 : i64, tpu.core_type = #tpu.core_type<sc_vector_subcore>, window_params = [{transform_indices = #map}, {transform_indices = #map1}, {transform_indices = #map1}, {transform_indices = #map}]} {
    %scan3A = arith.constant 0 : i32
    %scan3A_0 = arith.constant 0 : i32
    %scan3A_1 = arith.constant 128 : i32
    %scan3A_2 = arith.addi %scan3A_0, %scan3A_1 : i32
    %scan3A_3 = arith.constant 1 : i32
    scf.for %scan3A_42 = %scan3A_0 to %scan3A_2 step %scan3A_3  : i32 {
      %broadcast_in_dim3A = arith.constant 0.000000e+00 : f32
      %broadcast_in_dim3A_43 = vector.broadcast %broadcast_in_dim3A : f32 to vector<16xf32>
      %swap3A = arith.index_cast %scan3A_42 : i32 to index
      %swap3A_44 = arith.constant 0 : index
      %swap3A_45 = tpu.vector_load %arg7[%swap3A, %swap3A_44] {strides = array<i32>} : memref<128x128xf32, #tpu.memory_space<vmem>>, vector<1x16xf32>,
      %swap3A_46 = vector.shape_cast %swap3A_45 : vector<1x16xf32> to vector<16xf32>
      %swap3A_47 = vector.shape_cast %broadcast_in_dim3A_43 : vector<16xf32> to vector<1x16xf32>
      tpu.vector_store %arg7[%swap3A, %swap3A_44], %swap3A_47 {strides = array<i32>} : memref<128x128xf32, #tpu.memory_space<vmem>>, vector<1x16xf32>,
      %broadcast_in_dim3A_48 = arith.constant 0.000000e+00 : f32
      %broadcast_in_dim3A_49 = vector.broadcast %broadcast_in_dim3A_48 : f32 to vector<16xf32>
      %swap3A_50 = arith.index_cast %scan3A_42 : i32 to index
      %swap3A_51 = arith.constant 16 : index
      %swap3A_52 = tpu.vector_load %arg7[%swap3A_50, %swap3A_51] {strides = array<i32>} : memref<128x128xf32, #tpu.memory_space<vmem>>, vector<1x16xf32>,
      %swap3A_53 = vector.shape_cast %swap3A_52 : vector<1x16xf32> to vector<16xf32>
      %swap3A_54 = vector.shape_cast %broadcast_in_dim3A_49 : vector<16xf32> to vector<1x16xf32>
      tpu.vector_store %arg7[%swap3A_50, %swap3A_51], %swap3A_54 {strides = array<i32>} : memref<128x128xf32, #tpu.memory_space<vmem>>, vector<1x16xf32>,
      %broadcast_in_dim3A_55 = arith.constant 0.000000e+00 : f32
      %broadcast_in_dim3A_56 = vector.broadcast %broadcast_in_dim3A_55 : f32 to vector<16xf32>
      %swap3A_57 = arith.index_cast %scan3A_42 : i32 to index
      %swap3A_58 = arith.constant 32 : index
      %swap3A_59 = tpu.vector_load %arg7[%swap3A_57, %swap3A_58] {strides = array<i32>} : memref<128x128xf32, #tpu.memory_space<vmem>>, vector<1x16xf32>,
      %swap3A_60 = vector.shape_cast %swap3A_59 : vector<1x16xf32> to vector<16xf32>
      %swap3A_61 = vector.shape_cast %broadcast_in_dim3A_56 : vector<16xf32> to vector<1x16xf32>
      tpu.vector_store %arg7[%swap3A_57, %swap3A_58], %swap3A_61 {strides = array<i32>} : memref<128x128xf32, #tpu.memory_space<vmem>>, vector<1x16xf32>,
      %broadcast_in_dim3A_62 = arith.constant 0.000000e+00 : f32
      %broadcast_in_dim3A_63 = vector.broadcast %broadcast_in_dim3A_62 : f32 to vector<16xf32>
      %swap3A_64 = arith.index_cast %scan3A_42 : i32 to index
      %swap3A_65 = arith.constant 48 : index
      %swap3A_66 = tpu.vector_load %arg7[%swap3A_64, %swap3A_65] {strides = array<i32>} : memref<128x128xf32, #tpu.memory_space<vmem>>, vector<1x16xf32>,
      %swap3A_67 = vector.shape_cast %swap3A_66 : vector<1x16xf32> to vector<16xf32>
      %swap3A_68 = vector.shape_cast %broadcast_in_dim3A_63 : vector<16xf32> to vector<1x16xf32>
      tpu.vector_store %arg7[%swap3A_64, %swap3A_65], %swap3A_68 {strides = array<i32>} : memref<128x128xf32, #tpu.memory_space<vmem>>, vector<1x16xf32>,
      %broadcast_in_dim3A_69 = arith.constant 0.000000e+00 : f32
      %broadcast_in_dim3A_70 = vector.broadcast %broadcast_in_dim3A_69 : f32 to vector<16xf32>
      %swap3A_71 = arith.index_cast %scan3A_42 : i32 to index
      %swap3A_72 = arith.constant 64 : index
      %swap3A_73 = tpu.vector_load %arg7[%swap3A_71, %swap3A_72] {strides = array<i32>} : memref<128x128xf32, #tpu.memory_space<vmem>>, vector<1x16xf32>,
      %swap3A_74 = vector.shape_cast %swap3A_73 : vector<1x16xf32> to vector<16xf32>
      %swap3A_75 = vector.shape_cast %broadcast_in_dim3A_70 : vector<16xf32> to vector<1x16xf32>
      tpu.vector_store %arg7[%swap3A_71, %swap3A_72], %swap3A_75 {strides = array<i32>} : memref<128x128xf32, #tpu.memory_space<vmem>>, vector<1x16xf32>,
      %broadcast_in_dim3A_76 = arith.constant 0.000000e+00 : f32
      %broadcast_in_dim3A_77 = vector.broadcast %broadcast_in_dim3A_76 : f32 to vector<16xf32>
      %swap3A_78 = arith.index_cast %scan3A_42 : i32 to index
      %swap3A_79 = arith.constant 80 : index
      %swap3A_80 = tpu.vector_load %arg7[%swap3A_78, %swap3A_79] {strides = array<i32>} : memref<128x128xf32, #tpu.memory_space<vmem>>, vector<1x16xf32>,
      %swap3A_81 = vector.shape_cast %swap3A_80 : vector<1x16xf32> to vector<16xf32>
      %swap3A_82 = vector.shape_cast %broadcast_in_dim3A_77 : vector<16xf32> to vector<1x16xf32>
      tpu.vector_store %arg7[%swap3A_78, %swap3A_79], %swap3A_82 {strides = array<i32>} : memref<128x128xf32, #tpu.memory_space<vmem>>, vector<1x16xf32>,
      %broadcast_in_dim3A_83 = arith.constant 0.000000e+00 : f32
      %broadcast_in_dim3A_84 = vector.broadcast %broadcast_in_dim3A_83 : f32 to vector<16xf32>
      %swap3A_85 = arith.index_cast %scan3A_42 : i32 to index
      %swap3A_86 = arith.constant 96 : index
      %swap3A_87 = tpu.vector_load %arg7[%swap3A_85, %swap3A_86] {strides = array<i32>} : memref<128x128xf32, #tpu.memory_space<vmem>>, vector<1x16xf32>,
      %swap3A_88 = vector.shape_cast %swap3A_87 : vector<1x16xf32> to vector<16xf32>
      %swap3A_89 = vector.shape_cast %broadcast_in_dim3A_84 : vector<16xf32> to vector<1x16xf32>
      tpu.vector_store %arg7[%swap3A_85, %swap3A_86], %swap3A_89 {strides = array<i32>} : memref<128x128xf32, #tpu.memory_space<vmem>>, vector<1x16xf32>,
      %broadcast_in_dim3A_90 = arith.constant 0.000000e+00 : f32
      %broadcast_in_dim3A_91 = vector.broadcast %broadcast_in_dim3A_90 : f32 to vector<16xf32>
      %swap3A_92 = arith.index_cast %scan3A_42 : i32 to index
      %swap3A_93 = arith.constant 112 : index
      %swap3A_94 = tpu.vector_load %arg7[%swap3A_92, %swap3A_93] {strides = array<i32>} : memref<128x128xf32, #tpu.memory_space<vmem>>, vector<1x16xf32>,
      %swap3A_95 = vector.shape_cast %swap3A_94 : vector<1x16xf32> to vector<16xf32>
      %swap3A_96 = vector.shape_cast %broadcast_in_dim3A_91 : vector<16xf32> to vector<1x16xf32>
      tpu.vector_store %arg7[%swap3A_92, %swap3A_93], %swap3A_96 {strides = array<i32>} : memref<128x128xf32, #tpu.memory_space<vmem>>, vector<1x16xf32>,
    }
    %scan3A_4 = arith.constant 128 : i32
    %mul3A = arith.constant 640 : i32
    %mul3A_5 = arith.muli %arg1, %mul3A : i32
    %add3A = arith.constant 0 : i32
    %add3A_6 = arith.addi %mul3A_5, %add3A : i32
    "tpu.region"() ({
      %run_scoped3A = tpu.sem_alloc : memref<!tpu.dma_semaphore, #tpu.memory_space<semaphore_mem>>
      %dma_start3A = arith.constant 0 : i32
      %dma_start3A_42 = tpu.memref_slice %arg6[%add3A_6, %dma_start3A] : memref<10240x128xf32, #tpu.memory_space<vmem_shared>> -> memref<128x128xf32, #tpu.memory_space<vmem_shared>>
      %dma_start3A_43 = arith.constant 0 : i32
      %dma_start3A_44 = tpu.memref_slice %arg6[%add3A_6, %dma_start3A_43] : memref<10240x128xf32, #tpu.memory_space<vmem_shared>> -> memref<128x128xf32, #tpu.memory_space<vmem_shared>>
      tpu.enqueue_dma source(%arg7 : memref<128x128xf32, #tpu.memory_space<vmem>>) target(%dma_start3A_44 : memref<128x128xf32, #tpu.memory_space<vmem_shared>>) target_semaphore(%run_scoped3A : memref<!tpu.dma_semaphore, #tpu.memory_space<semaphore_mem>>)
      %dma_wait3A = arith.constant 0 : i32
      %dma_wait3A_45 = tpu.memref_slice %arg6[%add3A_6, %dma_wait3A] : memref<10240x128xf32, #tpu.memory_space<vmem_shared>> -> memref<128x128xf32, #tpu.memory_space<vmem_shared>>
      %dma_wait3A_46 = arith.constant 0 : i32
      %dma_wait3A_47 = tpu.memref_slice %arg6[%add3A_6, %dma_wait3A_46] : memref<10240x128xf32, #tpu.memory_space<vmem_shared>> -> memref<128x128xf32, #tpu.memory_space<vmem_shared>>
      tpu.wait_dma2 semaphore(%run_scoped3A : memref<!tpu.dma_semaphore, #tpu.memory_space<semaphore_mem>>) src(%arg7 : memref<128x128xf32, #tpu.memory_space<vmem>>) dst(%dma_wait3A_47 : memref<128x128xf32, #tpu.memory_space<vmem_shared>>)
      tpu.yield
    }) : () -> ()
    %mul3A_7 = arith.constant 640 : i32
    %mul3A_8 = arith.muli %arg1, %mul3A_7 : i32
    %add3A_9 = arith.constant 128 : i32
    %add3A_10 = arith.addi %mul3A_8, %add3A_9 : i32
    "tpu.region"() ({
      %run_scoped3A = tpu.sem_alloc : memref<!tpu.dma_semaphore, #tpu.memory_space<semaphore_mem>>
      %dma_start3A = arith.constant 0 : i32
      %dma_start3A_42 = tpu.memref_slice %arg6[%add3A_10, %dma_start3A] : memref<10240x128xf32, #tpu.memory_space<vmem_shared>> -> memref<128x128xf32, #tpu.memory_space<vmem_shared>>
      %dma_start3A_43 = arith.constant 0 : i32
      %dma_start3A_44 = tpu.memref_slice %arg6[%add3A_10, %dma_start3A_43] : memref<10240x128xf32, #tpu.memory_space<vmem_shared>> -> memref<128x128xf32, #tpu.memory_space<vmem_shared>>
      tpu.enqueue_dma source(%arg7 : memref<128x128xf32, #tpu.memory_space<vmem>>) target(%dma_start3A_44 : memref<128x128xf32, #tpu.memory_space<vmem_shared>>) target_semaphore(%run_scoped3A : memref<!tpu.dma_semaphore, #tpu.memory_space<semaphore_mem>>)
      %dma_wait3A = arith.constant 0 : i32
      %dma_wait3A_45 = tpu.memref_slice %arg6[%add3A_10, %dma_wait3A] : memref<10240x128xf32, #tpu.memory_space<vmem_shared>> -> memref<128x128xf32, #tpu.memory_space<vmem_shared>>
      %dma_wait3A_46 = arith.constant 0 : i32
      %dma_wait3A_47 = tpu.memref_slice %arg6[%add3A_10, %dma_wait3A_46] : memref<10240x128xf32, #tpu.memory_space<vmem_shared>> -> memref<128x128xf32, #tpu.memory_space<vmem_shared>>
      tpu.wait_dma2 semaphore(%run_scoped3A : memref<!tpu.dma_semaphore, #tpu.memory_space<semaphore_mem>>) src(%arg7 : memref<128x128xf32, #tpu.memory_space<vmem>>) dst(%dma_wait3A_47 : memref<128x128xf32, #tpu.memory_space<vmem_shared>>)
      tpu.yield
    }) : () -> ()
    %mul3A_11 = arith.constant 640 : i32
    %mul3A_12 = arith.muli %arg1, %mul3A_11 : i32
    %add3A_13 = arith.constant 256 : i32
    %add3A_14 = arith.addi %mul3A_12, %add3A_13 : i32
    "tpu.region"() ({
      %run_scoped3A = tpu.sem_alloc : memref<!tpu.dma_semaphore, #tpu.memory_space<semaphore_mem>>
      %dma_start3A = arith.constant 0 : i32
      %dma_start3A_42 = tpu.memref_slice %arg6[%add3A_14, %dma_start3A] : memref<10240x128xf32, #tpu.memory_space<vmem_shared>> -> memref<128x128xf32, #tpu.memory_space<vmem_shared>>
      %dma_start3A_43 = arith.constant 0 : i32
      %dma_start3A_44 = tpu.memref_slice %arg6[%add3A_14, %dma_start3A_43] : memref<10240x128xf32, #tpu.memory_space<vmem_shared>> -> memref<128x128xf32, #tpu.memory_space<vmem_shared>>
      tpu.enqueue_dma source(%arg7 : memref<128x128xf32, #tpu.memory_space<vmem>>) target(%dma_start3A_44 : memref<128x128xf32, #tpu.memory_space<vmem_shared>>) target_semaphore(%run_scoped3A : memref<!tpu.dma_semaphore, #tpu.memory_space<semaphore_mem>>)
      %dma_wait3A = arith.constant 0 : i32
      %dma_wait3A_45 = tpu.memref_slice %arg6[%add3A_14, %dma_wait3A] : memref<10240x128xf32, #tpu.memory_space<vmem_shared>> -> memref<128x128xf32, #tpu.memory_space<vmem_shared>>
      %dma_wait3A_46 = arith.constant 0 : i32
      %dma_wait3A_47 = tpu.memref_slice %arg6[%add3A_14, %dma_wait3A_46] : memref<10240x128xf32, #tpu.memory_space<vmem_shared>> -> memref<128x128xf32, #tpu.memory_space<vmem_shared>>
      tpu.wait_dma2 semaphore(%run_scoped3A : memref<!tpu.dma_semaphore, #tpu.memory_space<semaphore_mem>>) src(%arg7 : memref<128x128xf32, #tpu.memory_space<vmem>>) dst(%dma_wait3A_47 : memref<128x128xf32, #tpu.memory_space<vmem_shared>>)
      tpu.yield
    }) : () -> ()
    %mul3A_15 = arith.constant 640 : i32
    %mul3A_16 = arith.muli %arg1, %mul3A_15 : i32
    %add3A_17 = arith.constant 384 : i32
    %add3A_18 = arith.addi %mul3A_16, %add3A_17 : i32
    "tpu.region"() ({
      %run_scoped3A = tpu.sem_alloc : memref<!tpu.dma_semaphore, #tpu.memory_space<semaphore_mem>>
      %dma_start3A = arith.constant 0 : i32
      %dma_start3A_42 = tpu.memref_slice %arg6[%add3A_18, %dma_start3A] : memref<10240x128xf32, #tpu.memory_space<vmem_shared>> -> memref<128x128xf32, #tpu.memory_space<vmem_shared>>
      %dma_start3A_43 = arith.constant 0 : i32
      %dma_start3A_44 = tpu.memref_slice %arg6[%add3A_18, %dma_start3A_43] : memref<10240x128xf32, #tpu.memory_space<vmem_shared>> -> memref<128x128xf32, #tpu.memory_space<vmem_shared>>
      tpu.enqueue_dma source(%arg7 : memref<128x128xf32, #tpu.memory_space<vmem>>) target(%dma_start3A_44 : memref<128x128xf32, #tpu.memory_space<vmem_shared>>) target_semaphore(%run_scoped3A : memref<!tpu.dma_semaphore, #tpu.memory_space<semaphore_mem>>)
      %dma_wait3A = arith.constant 0 : i32
      %dma_wait3A_45 = tpu.memref_slice %arg6[%add3A_18, %dma_wait3A] : memref<10240x128xf32, #tpu.memory_space<vmem_shared>> -> memref<128x128xf32, #tpu.memory_space<vmem_shared>>
      %dma_wait3A_46 = arith.constant 0 : i32
      %dma_wait3A_47 = tpu.memref_slice %arg6[%add3A_18, %dma_wait3A_46] : memref<10240x128xf32, #tpu.memory_space<vmem_shared>> -> memref<128x128xf32, #tpu.memory_space<vmem_shared>>
      tpu.wait_dma2 semaphore(%run_scoped3A : memref<!tpu.dma_semaphore, #tpu.memory_space<semaphore_mem>>) src(%arg7 : memref<128x128xf32, #tpu.memory_space<vmem>>) dst(%dma_wait3A_47 : memref<128x128xf32, #tpu.memory_space<vmem_shared>>)
      tpu.yield
    }) : () -> ()
    %mul3A_19 = arith.constant 640 : i32
    %mul3A_20 = arith.muli %arg1, %mul3A_19 : i32
    %add3A_21 = arith.constant 512 : i32
    %add3A_22 = arith.addi %mul3A_20, %add3A_21 : i32
    "tpu.region"() ({
      %run_scoped3A = tpu.sem_alloc : memref<!tpu.dma_semaphore, #tpu.memory_space<semaphore_mem>>
      %dma_start3A = arith.constant 0 : i32
      %dma_start3A_42 = tpu.memref_slice %arg6[%add3A_22, %dma_start3A] : memref<10240x128xf32, #tpu.memory_space<vmem_shared>> -> memref<128x128xf32, #tpu.memory_space<vmem_shared>>
      %dma_start3A_43 = arith.constant 0 : i32
      %dma_start3A_44 = tpu.memref_slice %arg6[%add3A_22, %dma_start3A_43] : memref<10240x128xf32, #tpu.memory_space<vmem_shared>> -> memref<128x128xf32, #tpu.memory_space<vmem_shared>>
      tpu.enqueue_dma source(%arg7 : memref<128x128xf32, #tpu.memory_space<vmem>>) target(%dma_start3A_44 : memref<128x128xf32, #tpu.memory_space<vmem_shared>>) target_semaphore(%run_scoped3A : memref<!tpu.dma_semaphore, #tpu.memory_space<semaphore_mem>>)
      %dma_wait3A = arith.constant 0 : i32
      %dma_wait3A_45 = tpu.memref_slice %arg6[%add3A_22, %dma_wait3A] : memref<10240x128xf32, #tpu.memory_space<vmem_shared>> -> memref<128x128xf32, #tpu.memory_space<vmem_shared>>
      %dma_wait3A_46 = arith.constant 0 : i32
      %dma_wait3A_47 = tpu.memref_slice %arg6[%add3A_22, %dma_wait3A_46] : memref<10240x128xf32, #tpu.memory_space<vmem_shared>> -> memref<128x128xf32, #tpu.memory_space<vmem_shared>>
      tpu.wait_dma2 semaphore(%run_scoped3A : memref<!tpu.dma_semaphore, #tpu.memory_space<semaphore_mem>>) src(%arg7 : memref<128x128xf32, #tpu.memory_space<vmem>>) dst(%dma_wait3A_47 : memref<128x128xf32, #tpu.memory_space<vmem_shared>>)
      tpu.yield
    }) : () -> ()
    %barrier3A = arith.constant 0 : index
    tpu.barrier barrier_id(%barrier3A)
    %mul3A_23 = arith.constant 10240 : i32
    %mul3A_24 = arith.muli %arg1, %mul3A_23 : i32
    %mul3A_25 = arith.constant 163840 : i32
    %mul3A_26 = arith.muli %arg0, %mul3A_25 : i32
    %add3A_27 = arith.addi %mul3A_26, %mul3A_24 : i32
    %scan3A_28 = arith.constant 0 : i32
    %scan3A_29 = arith.constant 0 : i32
    %scan3A_30 = arith.constant 80 : i32
    %scan3A_31 = arith.addi %scan3A_29, %scan3A_30 : i32
    %scan3A_32 = arith.constant 1 : i32
    scf.for %scan3A_42 = %scan3A_29 to %scan3A_31 step %scan3A_32  : i32 {
      %mul3A_43 = arith.constant 128 : i32
      %mul3A_44 = arith.muli %scan3A_42, %mul3A_43 : i32
      %add3A_45 = arith.addi %add3A_27, %mul3A_44 : i32
      "tpu.region"() ({
        %run_scoped3A = tpu.sem_alloc : memref<!tpu.dma_semaphore, #tpu.memory_space<semaphore_mem>>
        %dma_start3A_53 = tpu.memref_slice %arg3[%add3A_45] : memref<327680xi32, #tpu.memory_space<hbm>> -> memref<128xi32, #tpu.memory_space<hbm>>
        %dma_start3A_54 = tpu.memref_slice %arg3[%add3A_45] : memref<327680xi32, #tpu.memory_space<hbm>> -> memref<128xi32, #tpu.memory_space<hbm>>
        tpu.enqueue_dma source(%dma_start3A_54 : memref<128xi32, #tpu.memory_space<hbm>>) target(%arg8 : memref<128xi32, #tpu.memory_space<vmem>>) target_semaphore(%run_scoped3A : memref<!tpu.dma_semaphore, #tpu.memory_space<semaphore_mem>>)
        %dma_wait3A_55 = tpu.memref_slice %arg3[%add3A_45] : memref<327680xi32, #tpu.memory_space<hbm>> -> memref<128xi32, #tpu.memory_space<hbm>>
        %dma_wait3A_56 = tpu.memref_slice %arg3[%add3A_45] : memref<327680xi32, #tpu.memory_space<hbm>> -> memref<128xi32, #tpu.memory_space<hbm>>
        tpu.wait_dma2 semaphore(%run_scoped3A : memref<!tpu.dma_semaphore, #tpu.memory_space<semaphore_mem>>) src(%dma_wait3A_56 : memref<128xi32, #tpu.memory_space<hbm>>) dst(%arg8 : memref<128xi32, #tpu.memory_space<vmem>>)
        tpu.yield
      }) : () -> ()
      %mul3A_46 = arith.constant 128 : i32
      %mul3A_47 = arith.muli %scan3A_42, %mul3A_46 : i32
      %add3A_48 = arith.addi %mul3A_24, %mul3A_47 : i32
      "tpu.region"() ({
        %run_scoped3A = tpu.sem_alloc : memref<!tpu.dma_semaphore, #tpu.memory_space<semaphore_mem>>
        %dma_start3A_53 = tpu.memref_slice %arg4[%add3A_48] : memref<163840xi32, #tpu.memory_space<hbm>> -> memref<128xi32, #tpu.memory_space<hbm>>
        %dma_start3A_54 = tpu.memref_slice %arg4[%add3A_48] : memref<163840xi32, #tpu.memory_space<hbm>> -> memref<128xi32, #tpu.memory_space<hbm>>
        tpu.enqueue_dma source(%dma_start3A_54 : memref<128xi32, #tpu.memory_space<hbm>>) target(%arg9 : memref<128xi32, #tpu.memory_space<vmem>>) target_semaphore(%run_scoped3A : memref<!tpu.dma_semaphore, #tpu.memory_space<semaphore_mem>>)
        %dma_wait3A_55 = tpu.memref_slice %arg4[%add3A_48] : memref<163840xi32, #tpu.memory_space<hbm>> -> memref<128xi32, #tpu.memory_space<hbm>>
        %dma_wait3A_56 = tpu.memref_slice %arg4[%add3A_48] : memref<163840xi32, #tpu.memory_space<hbm>> -> memref<128xi32, #tpu.memory_space<hbm>>
        tpu.wait_dma2 semaphore(%run_scoped3A : memref<!tpu.dma_semaphore, #tpu.memory_space<semaphore_mem>>) src(%dma_wait3A_56 : memref<128xi32, #tpu.memory_space<hbm>>) dst(%arg9 : memref<128xi32, #tpu.memory_space<vmem>>)
        tpu.yield
      }) : () -> ()
      %dma_start3A = arith.constant 0 : i32
      %dma_start3A_49 = arith.constant 0 : i32
      %dma_start3A_50 = tpu.memref_slice %arg2[%dma_start3A, %dma_start3A_49] : memref<20000x128xf32, #tpu.memory_space<hbm>> -> memref<20000x128xf32, #tpu.memory_space<hbm>>
      tpu.enqueue_indirect_dma source(%dma_start3A_50 : memref<20000x128xf32, #tpu.memory_space<hbm>>) target(%arg7 : memref<128x128xf32, #tpu.memory_space<vmem>>) offsets(%arg8 : memref<128xi32, #tpu.memory_space<vmem>>) semaphore(%arg10 : memref<!tpu.dma_semaphore, #tpu.memory_space<semaphore_mem>>)
      %dma_wait3A = arith.constant 0 : i32
      %dma_wait3A_51 = arith.constant 0 : i32
      %dma_wait3A_52 = tpu.memref_slice %arg2[%dma_wait3A, %dma_wait3A_51] : memref<20000x128xf32, #tpu.memory_space<hbm>> -> memref<20000x128xf32, #tpu.memory_space<hbm>>
      tpu.wait_indirect_dma semaphore(%arg10 : memref<!tpu.dma_semaphore, #tpu.memory_space<semaphore_mem>>) src(%dma_wait3A_52 : memref<20000x128xf32, #tpu.memory_space<hbm>>) dst(%arg7 : memref<128x128xf32, #tpu.memory_space<vmem>>)
      "tpu.region"() ({
        %run_scoped3A = tpu.sem_alloc : memref<!tpu.dma_semaphore, #tpu.memory_space<semaphore_mem>>
        %dma_start3A_53 = arith.constant 0 : i32
        %dma_start3A_54 = arith.constant 0 : i32
        %dma_start3A_55 = tpu.memref_slice %arg6[%dma_start3A_53, %dma_start3A_54] : memref<10240x128xf32, #tpu.memory_space<vmem_shared>> -> memref<10240x128xf32, #tpu.memory_space<vmem_shared>>
        tpu.enqueue_indirect_dma source(%arg7 : memref<128x128xf32, #tpu.memory_space<vmem>>) target(%dma_start3A_55 : memref<10240x128xf32, #tpu.memory_space<vmem_shared>>) offsets(%arg9 : memref<128xi32, #tpu.memory_space<vmem>>) semaphore(%run_scoped3A : memref<!tpu.dma_semaphore, #tpu.memory_space<semaphore_mem>>) {add = true}
        %dma_wait3A_56 = arith.constant 0 : i32
        %dma_wait3A_57 = arith.constant 0 : i32
        %dma_wait3A_58 = tpu.memref_slice %arg6[%dma_wait3A_56, %dma_wait3A_57] : memref<10240x128xf32, #tpu.memory_space<vmem_shared>> -> memref<10240x128xf32, #tpu.memory_space<vmem_shared>>
        tpu.wait_indirect_dma semaphore(%run_scoped3A : memref<!tpu.dma_semaphore, #tpu.memory_space<semaphore_mem>>) src(%arg7 : memref<128x128xf32, #tpu.memory_space<vmem>>) dst(%dma_wait3A_58 : memref<10240x128xf32, #tpu.memory_space<vmem_shared>>)
        tpu.yield
      }) : () -> ()
    }
    %scan3A_33 = arith.constant 80 : i32
    %barrier3A_34 = arith.constant 0 : index
    tpu.barrier barrier_id(%barrier3A_34)
    %mul3A_35 = arith.constant 640 : i32
    %mul3A_36 = arith.muli %arg1, %mul3A_35 : i32
    %mul3A_37 = arith.constant 10240 : i32
    %mul3A_38 = arith.muli %arg0, %mul3A_37 : i32
    %mul3A_39 = arith.constant 640 : i32
    %mul3A_40 = arith.muli %arg1, %mul3A_39 : i32
    %add3A_41 = arith.addi %mul3A_38, %mul3A_40 : i32
    "tpu.region"() ({
      %run_scoped3A = tpu.sem_alloc : memref<!tpu.dma_semaphore, #tpu.memory_space<semaphore_mem>>
      %dma_start3A = arith.constant 0 : i32
      %dma_start3A_42 = tpu.memref_slice %arg5[%add3A_41, %dma_start3A] : memref<20480x128xf32, #tpu.memory_space<hbm>> -> memref<640x128xf32, #tpu.memory_space<hbm>>
      %dma_start3A_43 = arith.constant 0 : i32
      %dma_start3A_44 = tpu.memref_slice %arg6[%mul3A_36, %dma_start3A_43] : memref<10240x128xf32, #tpu.memory_space<vmem_shared>> -> memref<640x128xf32, #tpu.memory_space<vmem_shared>>
      tpu.enqueue_dma source(%dma_start3A_44 : memref<640x128xf32, #tpu.memory_space<vmem_shared>>) target(%dma_start3A_42 : memref<640x128xf32, #tpu.memory_space<hbm>>) target_semaphore(%run_scoped3A : memref<!tpu.dma_semaphore, #tpu.memory_space<semaphore_mem>>)
      %dma_wait3A = arith.constant 0 : i32
      %dma_wait3A_45 = tpu.memref_slice %arg5[%add3A_41, %dma_wait3A] : memref<20480x128xf32, #tpu.memory_space<hbm>> -> memref<640x128xf32, #tpu.memory_space<hbm>>
      %dma_wait3A_46 = arith.constant 0 : i32
      %dma_wait3A_47 = tpu.memref_slice %arg6[%mul3A_36, %dma_wait3A_46] : memref<10240x128xf32, #tpu.memory_space<vmem_shared>> -> memref<640x128xf32, #tpu.memory_space<vmem_shared>>
      tpu.wait_dma2 semaphore(%run_scoped3A : memref<!tpu.dma_semaphore, #tpu.memory_space<semaphore_mem>>) src(%dma_wait3A_47 : memref<640x128xf32, #tpu.memory_space<vmem_shared>>) dst(%dma_wait3A_45 : memref<640x128xf32, #tpu.memory_space<hbm>>)
      tpu.yield
    }) : () -> ()
    return
  }
}

#map = affine_map<(d0, d1) -> (0, 0)>
#map1 = affine_map<(d0, d1) -> (0)>
module attributes {stable_mosaic.version = 14 : i64} {
  func.func @_agg_kernel(%arg0: i32, %arg1: i32, %arg2: memref<20000x128xf32, #tpu.memory_space<hbm>>, %arg3: memref<327680xi32, #tpu.memory_space<hbm>>, %arg4: memref<163840xi32, #tpu.memory_space<hbm>>, %arg5: memref<20480x128xf32, #tpu.memory_space<hbm>>, %arg6: memref<10240x128xf32, #tpu.memory_space<vmem_shared>>, %arg7: memref<128x128xf32, #tpu.memory_space<vmem>>, %arg8: memref<128xi32, #tpu.memory_space<vmem>>, %arg9: memref<128xi32, #tpu.memory_space<vmem>>, %arg10: memref<!tpu.dma_semaphore, #tpu.memory_space<semaphore_mem>>) attributes {dimension_semantics = [#tpu.dimension_semantics<core_parallel>, #tpu.dimension_semantics<subcore_parallel>], iteration_bounds = array<i64: 2, 16>, scalar_prefetch = 0 : i64, scratch_operands = 5 : i64, tpu.core_type = #tpu.core_type<sc_vector_subcore>, window_params = [{transform_indices = #map}, {transform_indices = #map1}, {transform_indices = #map1}, {transform_indices = #map}]} {
    %scan3A = arith.constant 0 : i32
    %scan3A_0 = arith.constant 0 : i32
    %scan3A_1 = arith.constant 128 : i32
    %scan3A_2 = arith.addi %scan3A_0, %scan3A_1 : i32
    %scan3A_3 = arith.constant 1 : i32
    scf.for %scan3A_42 = %scan3A_0 to %scan3A_2 step %scan3A_3  : i32 {
      %broadcast_in_dim3A = arith.constant 0.000000e+00 : f32
      %broadcast_in_dim3A_43 = vector.broadcast %broadcast_in_dim3A : f32 to vector<16xf32>
      %swap3A = arith.index_cast %scan3A_42 : i32 to index
      %swap3A_44 = arith.constant 0 : index
      %swap3A_45 = tpu.vector_load %arg7[%swap3A, %swap3A_44] {strides = array<i32>} : memref<128x128xf32, #tpu.memory_space<vmem>>, vector<1x16xf32>,
      %swap3A_46 = vector.shape_cast %swap3A_45 : vector<1x16xf32> to vector<16xf32>
      %swap3A_47 = vector.shape_cast %broadcast_in_dim3A_43 : vector<16xf32> to vector<1x16xf32>
      tpu.vector_store %arg7[%swap3A, %swap3A_44], %swap3A_47 {strides = array<i32>} : memref<128x128xf32, #tpu.memory_space<vmem>>, vector<1x16xf32>,
      %broadcast_in_dim3A_48 = arith.constant 0.000000e+00 : f32
      %broadcast_in_dim3A_49 = vector.broadcast %broadcast_in_dim3A_48 : f32 to vector<16xf32>
      %swap3A_50 = arith.index_cast %scan3A_42 : i32 to index
      %swap3A_51 = arith.constant 16 : index
      %swap3A_52 = tpu.vector_load %arg7[%swap3A_50, %swap3A_51] {strides = array<i32>} : memref<128x128xf32, #tpu.memory_space<vmem>>, vector<1x16xf32>,
      %swap3A_53 = vector.shape_cast %swap3A_52 : vector<1x16xf32> to vector<16xf32>
      %swap3A_54 = vector.shape_cast %broadcast_in_dim3A_49 : vector<16xf32> to vector<1x16xf32>
      tpu.vector_store %arg7[%swap3A_50, %swap3A_51], %swap3A_54 {strides = array<i32>} : memref<128x128xf32, #tpu.memory_space<vmem>>, vector<1x16xf32>,
      %broadcast_in_dim3A_55 = arith.constant 0.000000e+00 : f32
      %broadcast_in_dim3A_56 = vector.broadcast %broadcast_in_dim3A_55 : f32 to vector<16xf32>
      %swap3A_57 = arith.index_cast %scan3A_42 : i32 to index
      %swap3A_58 = arith.constant 32 : index
      %swap3A_59 = tpu.vector_load %arg7[%swap3A_57, %swap3A_58] {strides = array<i32>} : memref<128x128xf32, #tpu.memory_space<vmem>>, vector<1x16xf32>,
      %swap3A_60 = vector.shape_cast %swap3A_59 : vector<1x16xf32> to vector<16xf32>
      %swap3A_61 = vector.shape_cast %broadcast_in_dim3A_56 : vector<16xf32> to vector<1x16xf32>
      tpu.vector_store %arg7[%swap3A_57, %swap3A_58], %swap3A_61 {strides = array<i32>} : memref<128x128xf32, #tpu.memory_space<vmem>>, vector<1x16xf32>,
      %broadcast_in_dim3A_62 = arith.constant 0.000000e+00 : f32
      %broadcast_in_dim3A_63 = vector.broadcast %broadcast_in_dim3A_62 : f32 to vector<16xf32>
      %swap3A_64 = arith.index_cast %scan3A_42 : i32 to index
      %swap3A_65 = arith.constant 48 : index
      %swap3A_66 = tpu.vector_load %arg7[%swap3A_64, %swap3A_65] {strides = array<i32>} : memref<128x128xf32, #tpu.memory_space<vmem>>, vector<1x16xf32>,
      %swap3A_67 = vector.shape_cast %swap3A_66 : vector<1x16xf32> to vector<16xf32>
      %swap3A_68 = vector.shape_cast %broadcast_in_dim3A_63 : vector<16xf32> to vector<1x16xf32>
      tpu.vector_store %arg7[%swap3A_64, %swap3A_65], %swap3A_68 {strides = array<i32>} : memref<128x128xf32, #tpu.memory_space<vmem>>, vector<1x16xf32>,
      %broadcast_in_dim3A_69 = arith.constant 0.000000e+00 : f32
      %broadcast_in_dim3A_70 = vector.broadcast %broadcast_in_dim3A_69 : f32 to vector<16xf32>
      %swap3A_71 = arith.index_cast %scan3A_42 : i32 to index
      %swap3A_72 = arith.constant 64 : index
      %swap3A_73 = tpu.vector_load %arg7[%swap3A_71, %swap3A_72] {strides = array<i32>} : memref<128x128xf32, #tpu.memory_space<vmem>>, vector<1x16xf32>,
      %swap3A_74 = vector.shape_cast %swap3A_73 : vector<1x16xf32> to vector<16xf32>
      %swap3A_75 = vector.shape_cast %broadcast_in_dim3A_70 : vector<16xf32> to vector<1x16xf32>
      tpu.vector_store %arg7[%swap3A_71, %swap3A_72], %swap3A_75 {strides = array<i32>} : memref<128x128xf32, #tpu.memory_space<vmem>>, vector<1x16xf32>,
      %broadcast_in_dim3A_76 = arith.constant 0.000000e+00 : f32
      %broadcast_in_dim3A_77 = vector.broadcast %broadcast_in_dim3A_76 : f32 to vector<16xf32>
      %swap3A_78 = arith.index_cast %scan3A_42 : i32 to index
      %swap3A_79 = arith.constant 80 : index
      %swap3A_80 = tpu.vector_load %arg7[%swap3A_78, %swap3A_79] {strides = array<i32>} : memref<128x128xf32, #tpu.memory_space<vmem>>, vector<1x16xf32>,
      %swap3A_81 = vector.shape_cast %swap3A_80 : vector<1x16xf32> to vector<16xf32>
      %swap3A_82 = vector.shape_cast %broadcast_in_dim3A_77 : vector<16xf32> to vector<1x16xf32>
      tpu.vector_store %arg7[%swap3A_78, %swap3A_79], %swap3A_82 {strides = array<i32>} : memref<128x128xf32, #tpu.memory_space<vmem>>, vector<1x16xf32>,
      %broadcast_in_dim3A_83 = arith.constant 0.000000e+00 : f32
      %broadcast_in_dim3A_84 = vector.broadcast %broadcast_in_dim3A_83 : f32 to vector<16xf32>
      %swap3A_85 = arith.index_cast %scan3A_42 : i32 to index
      %swap3A_86 = arith.constant 96 : index
      %swap3A_87 = tpu.vector_load %arg7[%swap3A_85, %swap3A_86] {strides = array<i32>} : memref<128x128xf32, #tpu.memory_space<vmem>>, vector<1x16xf32>,
      %swap3A_88 = vector.shape_cast %swap3A_87 : vector<1x16xf32> to vector<16xf32>
      %swap3A_89 = vector.shape_cast %broadcast_in_dim3A_84 : vector<16xf32> to vector<1x16xf32>
      tpu.vector_store %arg7[%swap3A_85, %swap3A_86], %swap3A_89 {strides = array<i32>} : memref<128x128xf32, #tpu.memory_space<vmem>>, vector<1x16xf32>,
      %broadcast_in_dim3A_90 = arith.constant 0.000000e+00 : f32
      %broadcast_in_dim3A_91 = vector.broadcast %broadcast_in_dim3A_90 : f32 to vector<16xf32>
      %swap3A_92 = arith.index_cast %scan3A_42 : i32 to index
      %swap3A_93 = arith.constant 112 : index
      %swap3A_94 = tpu.vector_load %arg7[%swap3A_92, %swap3A_93] {strides = array<i32>} : memref<128x128xf32, #tpu.memory_space<vmem>>, vector<1x16xf32>,
      %swap3A_95 = vector.shape_cast %swap3A_94 : vector<1x16xf32> to vector<16xf32>
      %swap3A_96 = vector.shape_cast %broadcast_in_dim3A_91 : vector<16xf32> to vector<1x16xf32>
      tpu.vector_store %arg7[%swap3A_92, %swap3A_93], %swap3A_96 {strides = array<i32>} : memref<128x128xf32, #tpu.memory_space<vmem>>, vector<1x16xf32>,
    }
    %scan3A_4 = arith.constant 128 : i32
    %mul3A = arith.constant 640 : i32
    %mul3A_5 = arith.muli %arg1, %mul3A : i32
    %add3A = arith.constant 0 : i32
    %add3A_6 = arith.addi %mul3A_5, %add3A : i32
    "tpu.region"() ({
      %run_scoped3A = tpu.sem_alloc : memref<!tpu.dma_semaphore, #tpu.memory_space<semaphore_mem>>
      %dma_start3A = arith.constant 0 : i32
      %dma_start3A_42 = tpu.memref_slice %arg6[%add3A_6, %dma_start3A] : memref<10240x128xf32, #tpu.memory_space<vmem_shared>> -> memref<128x128xf32, #tpu.memory_space<vmem_shared>>
      %dma_start3A_43 = arith.constant 0 : i32
      %dma_start3A_44 = tpu.memref_slice %arg6[%add3A_6, %dma_start3A_43] : memref<10240x128xf32, #tpu.memory_space<vmem_shared>> -> memref<128x128xf32, #tpu.memory_space<vmem_shared>>
      tpu.enqueue_dma source(%arg7 : memref<128x128xf32, #tpu.memory_space<vmem>>) target(%dma_start3A_44 : memref<128x128xf32, #tpu.memory_space<vmem_shared>>) target_semaphore(%run_scoped3A : memref<!tpu.dma_semaphore, #tpu.memory_space<semaphore_mem>>)
      %dma_wait3A = arith.constant 0 : i32
      %dma_wait3A_45 = tpu.memref_slice %arg6[%add3A_6, %dma_wait3A] : memref<10240x128xf32, #tpu.memory_space<vmem_shared>> -> memref<128x128xf32, #tpu.memory_space<vmem_shared>>
      %dma_wait3A_46 = arith.constant 0 : i32
      %dma_wait3A_47 = tpu.memref_slice %arg6[%add3A_6, %dma_wait3A_46] : memref<10240x128xf32, #tpu.memory_space<vmem_shared>> -> memref<128x128xf32, #tpu.memory_space<vmem_shared>>
      tpu.wait_dma2 semaphore(%run_scoped3A : memref<!tpu.dma_semaphore, #tpu.memory_space<semaphore_mem>>) src(%arg7 : memref<128x128xf32, #tpu.memory_space<vmem>>) dst(%dma_wait3A_47 : memref<128x128xf32, #tpu.memory_space<vmem_shared>>)
      tpu.yield
    }) : () -> ()
    %mul3A_7 = arith.constant 640 : i32
    %mul3A_8 = arith.muli %arg1, %mul3A_7 : i32
    %add3A_9 = arith.constant 128 : i32
    %add3A_10 = arith.addi %mul3A_8, %add3A_9 : i32
    "tpu.region"() ({
      %run_scoped3A = tpu.sem_alloc : memref<!tpu.dma_semaphore, #tpu.memory_space<semaphore_mem>>
      %dma_start3A = arith.constant 0 : i32
      %dma_start3A_42 = tpu.memref_slice %arg6[%add3A_10, %dma_start3A] : memref<10240x128xf32, #tpu.memory_space<vmem_shared>> -> memref<128x128xf32, #tpu.memory_space<vmem_shared>>
      %dma_start3A_43 = arith.constant 0 : i32
      %dma_start3A_44 = tpu.memref_slice %arg6[%add3A_10, %dma_start3A_43] : memref<10240x128xf32, #tpu.memory_space<vmem_shared>> -> memref<128x128xf32, #tpu.memory_space<vmem_shared>>
      tpu.enqueue_dma source(%arg7 : memref<128x128xf32, #tpu.memory_space<vmem>>) target(%dma_start3A_44 : memref<128x128xf32, #tpu.memory_space<vmem_shared>>) target_semaphore(%run_scoped3A : memref<!tpu.dma_semaphore, #tpu.memory_space<semaphore_mem>>)
      %dma_wait3A = arith.constant 0 : i32
      %dma_wait3A_45 = tpu.memref_slice %arg6[%add3A_10, %dma_wait3A] : memref<10240x128xf32, #tpu.memory_space<vmem_shared>> -> memref<128x128xf32, #tpu.memory_space<vmem_shared>>
      %dma_wait3A_46 = arith.constant 0 : i32
      %dma_wait3A_47 = tpu.memref_slice %arg6[%add3A_10, %dma_wait3A_46] : memref<10240x128xf32, #tpu.memory_space<vmem_shared>> -> memref<128x128xf32, #tpu.memory_space<vmem_shared>>
      tpu.wait_dma2 semaphore(%run_scoped3A : memref<!tpu.dma_semaphore, #tpu.memory_space<semaphore_mem>>) src(%arg7 : memref<128x128xf32, #tpu.memory_space<vmem>>) dst(%dma_wait3A_47 : memref<128x128xf32, #tpu.memory_space<vmem_shared>>)
      tpu.yield
    }) : () -> ()
    %mul3A_11 = arith.constant 640 : i32
    %mul3A_12 = arith.muli %arg1, %mul3A_11 : i32
    %add3A_13 = arith.constant 256 : i32
    %add3A_14 = arith.addi %mul3A_12, %add3A_13 : i32
    "tpu.region"() ({
      %run_scoped3A = tpu.sem_alloc : memref<!tpu.dma_semaphore, #tpu.memory_space<semaphore_mem>>
      %dma_start3A = arith.constant 0 : i32
      %dma_start3A_42 = tpu.memref_slice %arg6[%add3A_14, %dma_start3A] : memref<10240x128xf32, #tpu.memory_space<vmem_shared>> -> memref<128x128xf32, #tpu.memory_space<vmem_shared>>
      %dma_start3A_43 = arith.constant 0 : i32
      %dma_start3A_44 = tpu.memref_slice %arg6[%add3A_14, %dma_start3A_43] : memref<10240x128xf32, #tpu.memory_space<vmem_shared>> -> memref<128x128xf32, #tpu.memory_space<vmem_shared>>
      tpu.enqueue_dma source(%arg7 : memref<128x128xf32, #tpu.memory_space<vmem>>) target(%dma_start3A_44 : memref<128x128xf32, #tpu.memory_space<vmem_shared>>) target_semaphore(%run_scoped3A : memref<!tpu.dma_semaphore, #tpu.memory_space<semaphore_mem>>)
      %dma_wait3A = arith.constant 0 : i32
      %dma_wait3A_45 = tpu.memref_slice %arg6[%add3A_14, %dma_wait3A] : memref<10240x128xf32, #tpu.memory_space<vmem_shared>> -> memref<128x128xf32, #tpu.memory_space<vmem_shared>>
      %dma_wait3A_46 = arith.constant 0 : i32
      %dma_wait3A_47 = tpu.memref_slice %arg6[%add3A_14, %dma_wait3A_46] : memref<10240x128xf32, #tpu.memory_space<vmem_shared>> -> memref<128x128xf32, #tpu.memory_space<vmem_shared>>
      tpu.wait_dma2 semaphore(%run_scoped3A : memref<!tpu.dma_semaphore, #tpu.memory_space<semaphore_mem>>) src(%arg7 : memref<128x128xf32, #tpu.memory_space<vmem>>) dst(%dma_wait3A_47 : memref<128x128xf32, #tpu.memory_space<vmem_shared>>)
      tpu.yield
    }) : () -> ()
    %mul3A_15 = arith.constant 640 : i32
    %mul3A_16 = arith.muli %arg1, %mul3A_15 : i32
    %add3A_17 = arith.constant 384 : i32
    %add3A_18 = arith.addi %mul3A_16, %add3A_17 : i32
    "tpu.region"() ({
      %run_scoped3A = tpu.sem_alloc : memref<!tpu.dma_semaphore, #tpu.memory_space<semaphore_mem>>
      %dma_start3A = arith.constant 0 : i32
      %dma_start3A_42 = tpu.memref_slice %arg6[%add3A_18, %dma_start3A] : memref<10240x128xf32, #tpu.memory_space<vmem_shared>> -> memref<128x128xf32, #tpu.memory_space<vmem_shared>>
      %dma_start3A_43 = arith.constant 0 : i32
      %dma_start3A_44 = tpu.memref_slice %arg6[%add3A_18, %dma_start3A_43] : memref<10240x128xf32, #tpu.memory_space<vmem_shared>> -> memref<128x128xf32, #tpu.memory_space<vmem_shared>>
      tpu.enqueue_dma source(%arg7 : memref<128x128xf32, #tpu.memory_space<vmem>>) target(%dma_start3A_44 : memref<128x128xf32, #tpu.memory_space<vmem_shared>>) target_semaphore(%run_scoped3A : memref<!tpu.dma_semaphore, #tpu.memory_space<semaphore_mem>>)
      %dma_wait3A = arith.constant 0 : i32
      %dma_wait3A_45 = tpu.memref_slice %arg6[%add3A_18, %dma_wait3A] : memref<10240x128xf32, #tpu.memory_space<vmem_shared>> -> memref<128x128xf32, #tpu.memory_space<vmem_shared>>
      %dma_wait3A_46 = arith.constant 0 : i32
      %dma_wait3A_47 = tpu.memref_slice %arg6[%add3A_18, %dma_wait3A_46] : memref<10240x128xf32, #tpu.memory_space<vmem_shared>> -> memref<128x128xf32, #tpu.memory_space<vmem_shared>>
      tpu.wait_dma2 semaphore(%run_scoped3A : memref<!tpu.dma_semaphore, #tpu.memory_space<semaphore_mem>>) src(%arg7 : memref<128x128xf32, #tpu.memory_space<vmem>>) dst(%dma_wait3A_47 : memref<128x128xf32, #tpu.memory_space<vmem_shared>>)
      tpu.yield
    }) : () -> ()
    %mul3A_19 = arith.constant 640 : i32
    %mul3A_20 = arith.muli %arg1, %mul3A_19 : i32
    %add3A_21 = arith.constant 512 : i32
    %add3A_22 = arith.addi %mul3A_20, %add3A_21 : i32
    "tpu.region"() ({
      %run_scoped3A = tpu.sem_alloc : memref<!tpu.dma_semaphore, #tpu.memory_space<semaphore_mem>>
      %dma_start3A = arith.constant 0 : i32
      %dma_start3A_42 = tpu.memref_slice %arg6[%add3A_22, %dma_start3A] : memref<10240x128xf32, #tpu.memory_space<vmem_shared>> -> memref<128x128xf32, #tpu.memory_space<vmem_shared>>
      %dma_start3A_43 = arith.constant 0 : i32
      %dma_start3A_44 = tpu.memref_slice %arg6[%add3A_22, %dma_start3A_43] : memref<10240x128xf32, #tpu.memory_space<vmem_shared>> -> memref<128x128xf32, #tpu.memory_space<vmem_shared>>
      tpu.enqueue_dma source(%arg7 : memref<128x128xf32, #tpu.memory_space<vmem>>) target(%dma_start3A_44 : memref<128x128xf32, #tpu.memory_space<vmem_shared>>) target_semaphore(%run_scoped3A : memref<!tpu.dma_semaphore, #tpu.memory_space<semaphore_mem>>)
      %dma_wait3A = arith.constant 0 : i32
      %dma_wait3A_45 = tpu.memref_slice %arg6[%add3A_22, %dma_wait3A] : memref<10240x128xf32, #tpu.memory_space<vmem_shared>> -> memref<128x128xf32, #tpu.memory_space<vmem_shared>>
      %dma_wait3A_46 = arith.constant 0 : i32
      %dma_wait3A_47 = tpu.memref_slice %arg6[%add3A_22, %dma_wait3A_46] : memref<10240x128xf32, #tpu.memory_space<vmem_shared>> -> memref<128x128xf32, #tpu.memory_space<vmem_shared>>
      tpu.wait_dma2 semaphore(%run_scoped3A : memref<!tpu.dma_semaphore, #tpu.memory_space<semaphore_mem>>) src(%arg7 : memref<128x128xf32, #tpu.memory_space<vmem>>) dst(%dma_wait3A_47 : memref<128x128xf32, #tpu.memory_space<vmem_shared>>)
      tpu.yield
    }) : () -> ()
    %barrier3A = arith.constant 0 : index
    tpu.barrier barrier_id(%barrier3A)
    %mul3A_23 = arith.constant 10240 : i32
    %mul3A_24 = arith.muli %arg1, %mul3A_23 : i32
    %mul3A_25 = arith.constant 163840 : i32
    %mul3A_26 = arith.muli %arg0, %mul3A_25 : i32
    %add3A_27 = arith.addi %mul3A_26, %mul3A_24 : i32
    %scan3A_28 = arith.constant 0 : i32
    %scan3A_29 = arith.constant 0 : i32
    %scan3A_30 = arith.constant 80 : i32
    %scan3A_31 = arith.addi %scan3A_29, %scan3A_30 : i32
    %scan3A_32 = arith.constant 1 : i32
    scf.for %scan3A_42 = %scan3A_29 to %scan3A_31 step %scan3A_32  : i32 {
      %mul3A_43 = arith.constant 128 : i32
      %mul3A_44 = arith.muli %scan3A_42, %mul3A_43 : i32
      %add3A_45 = arith.addi %add3A_27, %mul3A_44 : i32
      "tpu.region"() ({
        %run_scoped3A = tpu.sem_alloc : memref<!tpu.dma_semaphore, #tpu.memory_space<semaphore_mem>>
        %dma_start3A_53 = tpu.memref_slice %arg3[%add3A_45] : memref<327680xi32, #tpu.memory_space<hbm>> -> memref<128xi32, #tpu.memory_space<hbm>>
        %dma_start3A_54 = tpu.memref_slice %arg3[%add3A_45] : memref<327680xi32, #tpu.memory_space<hbm>> -> memref<128xi32, #tpu.memory_space<hbm>>
        tpu.enqueue_dma source(%dma_start3A_54 : memref<128xi32, #tpu.memory_space<hbm>>) target(%arg8 : memref<128xi32, #tpu.memory_space<vmem>>) target_semaphore(%run_scoped3A : memref<!tpu.dma_semaphore, #tpu.memory_space<semaphore_mem>>)
        %dma_wait3A_55 = tpu.memref_slice %arg3[%add3A_45] : memref<327680xi32, #tpu.memory_space<hbm>> -> memref<128xi32, #tpu.memory_space<hbm>>
        %dma_wait3A_56 = tpu.memref_slice %arg3[%add3A_45] : memref<327680xi32, #tpu.memory_space<hbm>> -> memref<128xi32, #tpu.memory_space<hbm>>
        tpu.wait_dma2 semaphore(%run_scoped3A : memref<!tpu.dma_semaphore, #tpu.memory_space<semaphore_mem>>) src(%dma_wait3A_56 : memref<128xi32, #tpu.memory_space<hbm>>) dst(%arg8 : memref<128xi32, #tpu.memory_space<vmem>>)
        tpu.yield
      }) : () -> ()
      %mul3A_46 = arith.constant 128 : i32
      %mul3A_47 = arith.muli %scan3A_42, %mul3A_46 : i32
      %add3A_48 = arith.addi %mul3A_24, %mul3A_47 : i32
      "tpu.region"() ({
        %run_scoped3A = tpu.sem_alloc : memref<!tpu.dma_semaphore, #tpu.memory_space<semaphore_mem>>
        %dma_start3A_53 = tpu.memref_slice %arg4[%add3A_48] : memref<163840xi32, #tpu.memory_space<hbm>> -> memref<128xi32, #tpu.memory_space<hbm>>
        %dma_start3A_54 = tpu.memref_slice %arg4[%add3A_48] : memref<163840xi32, #tpu.memory_space<hbm>> -> memref<128xi32, #tpu.memory_space<hbm>>
        tpu.enqueue_dma source(%dma_start3A_54 : memref<128xi32, #tpu.memory_space<hbm>>) target(%arg9 : memref<128xi32, #tpu.memory_space<vmem>>) target_semaphore(%run_scoped3A : memref<!tpu.dma_semaphore, #tpu.memory_space<semaphore_mem>>)
        %dma_wait3A_55 = tpu.memref_slice %arg4[%add3A_48] : memref<163840xi32, #tpu.memory_space<hbm>> -> memref<128xi32, #tpu.memory_space<hbm>>
        %dma_wait3A_56 = tpu.memref_slice %arg4[%add3A_48] : memref<163840xi32, #tpu.memory_space<hbm>> -> memref<128xi32, #tpu.memory_space<hbm>>
        tpu.wait_dma2 semaphore(%run_scoped3A : memref<!tpu.dma_semaphore, #tpu.memory_space<semaphore_mem>>) src(%dma_wait3A_56 : memref<128xi32, #tpu.memory_space<hbm>>) dst(%arg9 : memref<128xi32, #tpu.memory_space<vmem>>)
        tpu.yield
      }) : () -> ()
      %dma_start3A = arith.constant 0 : i32
      %dma_start3A_49 = arith.constant 0 : i32
      %dma_start3A_50 = tpu.memref_slice %arg2[%dma_start3A, %dma_start3A_49] : memref<20000x128xf32, #tpu.memory_space<hbm>> -> memref<20000x128xf32, #tpu.memory_space<hbm>>
      tpu.enqueue_indirect_dma source(%dma_start3A_50 : memref<20000x128xf32, #tpu.memory_space<hbm>>) target(%arg7 : memref<128x128xf32, #tpu.memory_space<vmem>>) offsets(%arg8 : memref<128xi32, #tpu.memory_space<vmem>>) semaphore(%arg10 : memref<!tpu.dma_semaphore, #tpu.memory_space<semaphore_mem>>)
      %dma_wait3A = arith.constant 0 : i32
      %dma_wait3A_51 = arith.constant 0 : i32
      %dma_wait3A_52 = tpu.memref_slice %arg2[%dma_wait3A, %dma_wait3A_51] : memref<20000x128xf32, #tpu.memory_space<hbm>> -> memref<20000x128xf32, #tpu.memory_space<hbm>>
      tpu.wait_indirect_dma semaphore(%arg10 : memref<!tpu.dma_semaphore, #tpu.memory_space<semaphore_mem>>) src(%dma_wait3A_52 : memref<20000x128xf32, #tpu.memory_space<hbm>>) dst(%arg7 : memref<128x128xf32, #tpu.memory_space<vmem>>)
      "tpu.region"() ({
        %run_scoped3A = tpu.sem_alloc : memref<!tpu.dma_semaphore, #tpu.memory_space<semaphore_mem>>
        %dma_start3A_53 = arith.constant 0 : i32
        %dma_start3A_54 = arith.constant 0 : i32
        %dma_start3A_55 = tpu.memref_slice %arg6[%dma_start3A_53, %dma_start3A_54] : memref<10240x128xf32, #tpu.memory_space<vmem_shared>> -> memref<10240x128xf32, #tpu.memory_space<vmem_shared>>
        tpu.enqueue_indirect_dma source(%arg7 : memref<128x128xf32, #tpu.memory_space<vmem>>) target(%dma_start3A_55 : memref<10240x128xf32, #tpu.memory_space<vmem_shared>>) offsets(%arg9 : memref<128xi32, #tpu.memory_space<vmem>>) semaphore(%run_scoped3A : memref<!tpu.dma_semaphore, #tpu.memory_space<semaphore_mem>>) {add = true}
        %dma_wait3A_56 = arith.constant 0 : i32
        %dma_wait3A_57 = arith.constant 0 : i32
        %dma_wait3A_58 = tpu.memref_slice %arg6[%dma_wait3A_56, %dma_wait3A_57] : memref<10240x128xf32, #tpu.memory_space<vmem_shared>> -> memref<10240x128xf32, #tpu.memory_space<vmem_shared>>
        tpu.wait_indirect_dma semaphore(%run_scoped3A : memref<!tpu.dma_semaphore, #tpu.memory_space<semaphore_mem>>) src(%arg7 : memref<128x128xf32, #tpu.memory_space<vmem>>) dst(%dma_wait3A_58 : memref<10240x128xf32, #tpu.memory_space<vmem_shared>>)
        tpu.yield
      }) : () -> ()
    }
    %scan3A_33 = arith.constant 80 : i32
    %barrier3A_34 = arith.constant 0 : index
    tpu.barrier barrier_id(%barrier3A_34)
    %mul3A_35 = arith.constant 640 : i32
    %mul3A_36 = arith.muli %arg1, %mul3A_35 : i32
    %mul3A_37 = arith.constant 10240 : i32
    %mul3A_38 = arith.muli %arg0, %mul3A_37 : i32
    %mul3A_39 = arith.constant 640 : i32
    %mul3A_40 = arith.muli %arg1, %mul3A_39 : i32
    %add3A_41 = arith.addi %mul3A_38, %mul3A_40 : i32
    "tpu.region"() ({
      %run_scoped3A = tpu.sem_alloc : memref<!tpu.dma_semaphore, #tpu.memory_space<semaphore_mem>>
      %dma_start3A = arith.constant 0 : i32
      %dma_start3A_42 = tpu.memref_slice %arg5[%add3A_41, %dma_start3A] : memref<20480x128xf32, #tpu.memory_space<hbm>> -> memref<640x128xf32, #tpu.memory_space<hbm>>
      %dma_start3A_43 = arith.constant 0 : i32
      %dma_start3A_44 = tpu.memref_slice %arg6[%mul3A_36, %dma_start3A_43] : memref<10240x128xf32, #tpu.memory_space<vmem_shared>> -> memref<640x128xf32, #tpu.memory_space<vmem_shared>>
      tpu.enqueue_dma source(%dma_start3A_44 : memref<640x128xf32, #tpu.memory_space<vmem_shared>>) target(%dma_start3A_42 : memref<640x128xf32, #tpu.memory_space<hbm>>) target_semaphore(%run_scoped3A : memref<!tpu.dma_semaphore, #tpu.memory_space<semaphore_mem>>)
      %dma_wait3A = arith.constant 0 : i32
      %dma_wait3A_45 = tpu.memref_slice %arg5[%add3A_41, %dma_wait3A] : memref<20480x128xf32, #tpu.memory_space<hbm>> -> memref<640x128xf32, #tpu.memory_space<hbm>>
      %dma_wait3A_46 = arith.constant 0 : i32
      %dma_wait3A_47 = tpu.memref_slice %arg6[%mul3A_36, %dma_wait3A_46] : memref<10240x128xf32, #tpu.memory_space<vmem_shared>> -> memref<640x128xf32, #tpu.memory_space<vmem_shared>>
      tpu.wait_dma2 semaphore(%run_scoped3A : memref<!tpu.dma_semaphore, #tpu.memory_space<semaphore_mem>>) src(%dma_wait3A_47 : memref<640x128xf32, #tpu.memory_space<vmem_shared>>) dst(%dma_wait3A_45 : memref<640x128xf32, #tpu.memory_space<hbm>>)
      tpu.yield
    }) : () -> ()
    return
  }
}

module attributes {stable_mosaic.version = 14 : i64} {
  func.func @_mm1_body(%arg0: i32, %arg1: memref<1000x256xf32, #tpu.memory_space<vmem>>, %arg2: memref<256x256xf32, #tpu.memory_space<vmem>>, %arg3: memref<2x1000x16xf32, #tpu.memory_space<vmem>>, %arg4: memref<2x1000x128xf32, #tpu.memory_space<vmem>>) attributes {dimension_semantics = [#tpu.dimension_semantics<arbitrary>], iteration_bounds = array<i64: 10>, scalar_prefetch = 0 : i64, scratch_operands = 0 : i64, tpu.core_type = #tpu.core_type<tc>, window_params = [{transform_indices = @transform_0, window_bounds = array<i64: 1000, 256>}, {pipeline_mode = #tpu.pipeline_mode<synchronous>, transform_indices = @transform_1, window_bounds = array<i64: 256, 256>}, {transform_indices = @transform_2, window_bounds = array<i64: 2, 1000, 16>}, {transform_indices = @transform_3, window_bounds = array<i64: 2, 1000, 128>}]} {
    %get3A = arith.constant 0 : index
    %get3A_0 = arith.constant 0 : index
    %get3A_1 = arith.constant 0 : index
    %get3A_2 = vector.load %arg3[%get3A, %get3A_0, %get3A_1] : memref<2x1000x16xf32, #tpu.memory_space<vmem>>, vector<2x1000x16xf32>
    %slice3A = vector.extract_strided_slice %get3A_2 {offsets = [0, 0, 0], sizes = [1, 1000, 1], strides = [1, 1, 1]} : vector<2x1000x16xf32> to vector<1x1000x1xf32>
    %squeeze3A = vector.shape_cast %slice3A : vector<1x1000x1xf32> to vector<1000xf32>
    %slice3A_3 = vector.extract_strided_slice %get3A_2 {offsets = [1, 0, 0], sizes = [1, 1000, 1], strides = [1, 1, 1]} : vector<2x1000x16xf32> to vector<1x1000x1xf32>
    %squeeze3A_4 = vector.shape_cast %slice3A_3 : vector<1x1000x1xf32> to vector<1000xf32>
    %add3A = arith.addf %squeeze3A, %squeeze3A_4 : vector<1000xf32>
    %add3A_5 = arith.constant 1.000000e+00 : f32
    %add3A_6 = vector.broadcast %add3A_5 : f32 to vector<1000xf32>
    %add3A_7 = arith.addf %add3A, %add3A_6 : vector<1000xf32>
    %rsqrt3A = math.rsqrt %add3A_7 : vector<1000xf32>
    %get3A_8 = arith.constant 0 : index
    %get3A_9 = arith.constant 0 : index
    %get3A_10 = vector.load %arg1[%get3A_8, %get3A_9] : memref<1000x256xf32, #tpu.memory_space<vmem>>, vector<1000x256xf32>
    %get3A_11 = arith.constant 0 : index
    %get3A_12 = arith.constant 0 : index
    %get3A_13 = vector.load %arg2[%get3A_11, %get3A_12] : memref<256x256xf32, #tpu.memory_space<vmem>>, vector<256x256xf32>
    %dot_general3A = arith.constant dense<0.000000e+00> : vector<1000x256xf32>
    %dot_general3A_14 = tpu.matmul %get3A_10, %get3A_13, %dot_general3A {dimension_numbers = #tpu.dot_dimension_numbers<[1], [0], [0], [1], [0, 0, 1, 1], [], []>, transpose_lhs_hint = false} : vector<1000x256xf32>, vector<256x256xf32>, vector<1000x256xf32> -> vector<1000x256xf32>
    %broadcast_in_dim3A = vector.shape_cast %rsqrt3A : vector<1000xf32> to vector<1000x1xf32>
    %mul3A = vector.broadcast %broadcast_in_dim3A : vector<1000x1xf32> to vector<1000x256xf32>
    %mul3A_15 = arith.mulf %dot_general3A_14, %mul3A : vector<1000x256xf32>
    %slice3A_16 = vector.extract_strided_slice %mul3A_15 {offsets = [0, 0], sizes = [1000, 128], strides = [1, 1]} : vector<1000x256xf32> to vector<1000x128xf32>
    %swap3A = arith.constant 0 : index
    %swap3A_17 = arith.constant 0 : index
    %swap3A_18 = arith.constant 0 : index
    %swap3A_19 = vector.load %arg4[%swap3A, %swap3A_17, %swap3A_18] : memref<2x1000x128xf32, #tpu.memory_space<vmem>>, vector<1x1000x128xf32>
    %swap3A_20 = vector.shape_cast %swap3A_19 : vector<1x1000x128xf32> to vector<1000x128xf32>
    %swap3A_21 = vector.shape_cast %slice3A_16 : vector<1000x128xf32> to vector<1x1000x128xf32>
    tpu.vector_store %arg4[%swap3A, %swap3A_17, %swap3A_18], %swap3A_21 {strides = array<i32>} : memref<2x1000x128xf32, #tpu.memory_space<vmem>>, vector<1x1000x128xf32>,
    %slice3A_22 = vector.extract_strided_slice %mul3A_15 {offsets = [0, 128], sizes = [1000, 128], strides = [1, 1]} : vector<1000x256xf32> to vector<1000x128xf32>
    %swap3A_23 = arith.constant 1 : index
    %swap3A_24 = arith.constant 0 : index
    %swap3A_25 = arith.constant 0 : index
    %swap3A_26 = vector.load %arg4[%swap3A_23, %swap3A_24, %swap3A_25] : memref<2x1000x128xf32, #tpu.memory_space<vmem>>, vector<1x1000x128xf32>
    %swap3A_27 = vector.shape_cast %swap3A_26 : vector<1x1000x128xf32> to vector<1000x128xf32>
    %swap3A_28 = vector.shape_cast %slice3A_22 : vector<1000x128xf32> to vector<1x1000x128xf32>
    tpu.vector_store %arg4[%swap3A_23, %swap3A_24, %swap3A_25], %swap3A_28 {strides = array<i32>} : memref<2x1000x128xf32, #tpu.memory_space<vmem>>, vector<1x1000x128xf32>,
    return
  }
  func.func @transform_0(%arg0: i32) -> (i32, i32) {
    %c0_i32 = arith.constant 0 : i32
    %c0_i32_0 = arith.constant 0 : i32
    return %arg0, %c0_i32 : i32, i32
  }
  func.func @transform_1(%arg0: i32) -> (i32, i32) {
    %c0_i32 = arith.constant 0 : i32
    %c0_i32_0 = arith.constant 0 : i32
    %c0_i32_1 = arith.constant 0 : i32
    return %c0_i32, %c0_i32_0 : i32, i32
  }
  func.func @transform_2(%arg0: i32) -> (i32, i32, i32) {
    %c0_i32 = arith.constant 0 : i32
    %c0_i32_0 = arith.constant 0 : i32
    %c0_i32_1 = arith.constant 0 : i32
    return %c0_i32, %arg0, %c0_i32_0 : i32, i32, i32
  }
  func.func @transform_3(%arg0: i32) -> (i32, i32, i32) {
    %c0_i32 = arith.constant 0 : i32
    %c0_i32_0 = arith.constant 0 : i32
    %c0_i32_1 = arith.constant 0 : i32
    return %c0_i32, %arg0, %c0_i32_0 : i32, i32, i32
  }
}

module attributes {stable_mosaic.version = 14 : i64} {
  func.func @_mm2_body(%arg0: i32, %arg1: memref<2x1000x128xf32, #tpu.memory_space<vmem>>, %arg2: memref<2x1000x128xf32, #tpu.memory_space<vmem>>, %arg3: memref<2x1000x16xf32, #tpu.memory_space<vmem>>, %arg4: memref<1x256xf32, #tpu.memory_space<vmem>>, %arg5: memref<256x256xf32, #tpu.memory_space<vmem>>, %arg6: memref<2x1000x128xf32, #tpu.memory_space<vmem>>) attributes {dimension_semantics = [#tpu.dimension_semantics<arbitrary>], iteration_bounds = array<i64: 10>, scalar_prefetch = 0 : i64, scratch_operands = 0 : i64, tpu.core_type = #tpu.core_type<tc>, window_params = [{transform_indices = @transform_0, window_bounds = array<i64: 2, 1000, 128>}, {transform_indices = @transform_1, window_bounds = array<i64: 2, 1000, 128>}, {transform_indices = @transform_2, window_bounds = array<i64: 2, 1000, 16>}, {pipeline_mode = #tpu.pipeline_mode<synchronous>, transform_indices = @transform_3, window_bounds = array<i64: 1, 256>}, {pipeline_mode = #tpu.pipeline_mode<synchronous>, transform_indices = @transform_4, window_bounds = array<i64: 256, 256>}, {transform_indices = @transform_5, window_bounds = array<i64: 2, 1000, 128>}]} {
    %get3A = arith.constant 0 : index
    %get3A_0 = arith.constant 0 : index
    %get3A_1 = arith.constant 0 : index
    %get3A_2 = vector.load %arg3[%get3A, %get3A_0, %get3A_1] : memref<2x1000x16xf32, #tpu.memory_space<vmem>>, vector<2x1000x16xf32>
    %slice3A = vector.extract_strided_slice %get3A_2 {offsets = [0, 0, 0], sizes = [1, 1000, 1], strides = [1, 1, 1]} : vector<2x1000x16xf32> to vector<1x1000x1xf32>
    %squeeze3A = vector.shape_cast %slice3A : vector<1x1000x1xf32> to vector<1000xf32>
    %slice3A_3 = vector.extract_strided_slice %get3A_2 {offsets = [1, 0, 0], sizes = [1, 1000, 1], strides = [1, 1, 1]} : vector<2x1000x16xf32> to vector<1x1000x1xf32>
    %squeeze3A_4 = vector.shape_cast %slice3A_3 : vector<1x1000x1xf32> to vector<1000xf32>
    %add3A = arith.addf %squeeze3A, %squeeze3A_4 : vector<1000xf32>
    %add3A_5 = arith.constant 1.000000e+00 : f32
    %add3A_6 = vector.broadcast %add3A_5 : f32 to vector<1000xf32>
    %add3A_7 = arith.addf %add3A, %add3A_6 : vector<1000xf32>
    %rsqrt3A = math.rsqrt %add3A_7 : vector<1000xf32>
    %broadcast_in_dim3A = vector.shape_cast %rsqrt3A : vector<1000xf32> to vector<1000x1xf32>
    %get3A_8 = arith.constant 0 : index
    %get3A_9 = arith.constant 0 : index
    %get3A_10 = arith.constant 0 : index
    %get3A_11 = vector.load %arg1[%get3A_8, %get3A_9, %get3A_10] : memref<2x1000x128xf32, #tpu.memory_space<vmem>>, vector<1x1000x128xf32>
    %get3A_12 = vector.shape_cast %get3A_11 : vector<1x1000x128xf32> to vector<1000x128xf32>
    %get3A_13 = arith.constant 0 : index
    %get3A_14 = arith.constant 0 : index
    %get3A_15 = arith.constant 0 : index
    %get3A_16 = vector.load %arg2[%get3A_13, %get3A_14, %get3A_15] : memref<2x1000x128xf32, #tpu.memory_space<vmem>>, vector<1x1000x128xf32>
    %get3A_17 = vector.shape_cast %get3A_16 : vector<1x1000x128xf32> to vector<1000x128xf32>
    %add3A_18 = arith.addf %get3A_12, %get3A_17 : vector<1000x128xf32>
    %mul3A = vector.broadcast %broadcast_in_dim3A : vector<1000x1xf32> to vector<1000x128xf32>
    %mul3A_19 = arith.mulf %mul3A, %add3A_18 : vector<1000x128xf32>
    %get3A_20 = arith.constant 0 : index
    %get3A_21 = arith.constant 0 : index
    %get3A_22 = vector.load %arg4[%get3A_20, %get3A_21] : memref<1x256xf32, #tpu.memory_space<vmem>>, vector<1x128xf32>
    %get3A_23 = vector.shape_cast %get3A_22 : vector<1x128xf32> to vector<128xf32>
    %broadcast_in_dim3A_24 = vector.shape_cast %get3A_23 : vector<128xf32> to vector<1x128xf32>
    %add3A_25 = vector.broadcast %broadcast_in_dim3A_24 : vector<1x128xf32> to vector<1000x128xf32>
    %add3A_26 = arith.addf %mul3A_19, %add3A_25 : vector<1000x128xf32>
    %max3A = arith.constant 0.000000e+00 : f32
    %max3A_27 = vector.broadcast %max3A : f32 to vector<1000x128xf32>
    %max3A_28 = arith.maximumf %add3A_26, %max3A_27 : vector<1000x128xf32>
    %get3A_29 = arith.constant 1 : index
    %get3A_30 = arith.constant 0 : index
    %get3A_31 = arith.constant 0 : index
    %get3A_32 = vector.load %arg1[%get3A_29, %get3A_30, %get3A_31] : memref<2x1000x128xf32, #tpu.memory_space<vmem>>, vector<1x1000x128xf32>
    %get3A_33 = vector.shape_cast %get3A_32 : vector<1x1000x128xf32> to vector<1000x128xf32>
    %get3A_34 = arith.constant 1 : index
    %get3A_35 = arith.constant 0 : index
    %get3A_36 = arith.constant 0 : index
    %get3A_37 = vector.load %arg2[%get3A_34, %get3A_35, %get3A_36] : memref<2x1000x128xf32, #tpu.memory_space<vmem>>, vector<1x1000x128xf32>
    %get3A_38 = vector.shape_cast %get3A_37 : vector<1x1000x128xf32> to vector<1000x128xf32>
    %add3A_39 = arith.addf %get3A_33, %get3A_38 : vector<1000x128xf32>
    %mul3A_40 = vector.broadcast %broadcast_in_dim3A : vector<1000x1xf32> to vector<1000x128xf32>
    %mul3A_41 = arith.mulf %mul3A_40, %add3A_39 : vector<1000x128xf32>
    %get3A_42 = arith.constant 0 : index
    %get3A_43 = arith.constant 128 : index
    %get3A_44 = vector.load %arg4[%get3A_42, %get3A_43] : memref<1x256xf32, #tpu.memory_space<vmem>>, vector<1x128xf32>
    %get3A_45 = vector.shape_cast %get3A_44 : vector<1x128xf32> to vector<128xf32>
    %broadcast_in_dim3A_46 = vector.shape_cast %get3A_45 : vector<128xf32> to vector<1x128xf32>
    %add3A_47 = vector.broadcast %broadcast_in_dim3A_46 : vector<1x128xf32> to vector<1000x128xf32>
    %add3A_48 = arith.addf %mul3A_41, %add3A_47 : vector<1000x128xf32>
    %max3A_49 = arith.constant 0.000000e+00 : f32
    %max3A_50 = vector.broadcast %max3A_49 : f32 to vector<1000x128xf32>
    %max3A_51 = arith.maximumf %add3A_48, %max3A_50 : vector<1000x128xf32>
    %concatenate3A = tpu.concatenate %max3A_28, %max3A_51 in 1 : vector<1000x128xf32>, vector<1000x128xf32> -> vector<1000x256xf32>
    %get3A_52 = arith.constant 0 : index
    %get3A_53 = arith.constant 0 : index
    %get3A_54 = vector.load %arg5[%get3A_52, %get3A_53] : memref<256x256xf32, #tpu.memory_space<vmem>>, vector<256x256xf32>
    %dot_general3A = arith.constant dense<0.000000e+00> : vector<1000x256xf32>
    %dot_general3A_55 = tpu.matmul %concatenate3A, %get3A_54, %dot_general3A {dimension_numbers = #tpu.dot_dimension_numbers<[1], [0], [0], [1], [0, 0, 1, 1], [], []>, transpose_lhs_hint = false} : vector<1000x256xf32>, vector<256x256xf32>, vector<1000x256xf32> -> vector<1000x256xf32>
    %mul3A_56 = vector.broadcast %broadcast_in_dim3A : vector<1000x1xf32> to vector<1000x256xf32>
    %mul3A_57 = arith.mulf %dot_general3A_55, %mul3A_56 : vector<1000x256xf32>
    %slice3A_58 = vector.extract_strided_slice %mul3A_57 {offsets = [0, 0], sizes = [1000, 128], strides = [1, 1]} : vector<1000x256xf32> to vector<1000x128xf32>
    %swap3A = arith.constant 0 : index
    %swap3A_59 = arith.constant 0 : index
    %swap3A_60 = arith.constant 0 : index
    %swap3A_61 = vector.load %arg6[%swap3A, %swap3A_59, %swap3A_60] : memref<2x1000x128xf32, #tpu.memory_space<vmem>>, vector<1x1000x128xf32>
    %swap3A_62 = vector.shape_cast %swap3A_61 : vector<1x1000x128xf32> to vector<1000x128xf32>
    %swap3A_63 = vector.shape_cast %slice3A_58 : vector<1000x128xf32> to vector<1x1000x128xf32>
    tpu.vector_store %arg6[%swap3A, %swap3A_59, %swap3A_60], %swap3A_63 {strides = array<i32>} : memref<2x1000x128xf32, #tpu.memory_space<vmem>>, vector<1x1000x128xf32>,
    %slice3A_64 = vector.extract_strided_slice %mul3A_57 {offsets = [0, 128], sizes = [1000, 128], strides = [1, 1]} : vector<1000x256xf32> to vector<1000x128xf32>
    %swap3A_65 = arith.constant 1 : index
    %swap3A_66 = arith.constant 0 : index
    %swap3A_67 = arith.constant 0 : index
    %swap3A_68 = vector.load %arg6[%swap3A_65, %swap3A_66, %swap3A_67] : memref<2x1000x128xf32, #tpu.memory_space<vmem>>, vector<1x1000x128xf32>
    %swap3A_69 = vector.shape_cast %swap3A_68 : vector<1x1000x128xf32> to vector<1000x128xf32>
    %swap3A_70 = vector.shape_cast %slice3A_64 : vector<1000x128xf32> to vector<1x1000x128xf32>
    tpu.vector_store %arg6[%swap3A_65, %swap3A_66, %swap3A_67], %swap3A_70 {strides = array<i32>} : memref<2x1000x128xf32, #tpu.memory_space<vmem>>, vector<1x1000x128xf32>,
    return
  }
  func.func @transform_0(%arg0: i32) -> (i32, i32, i32) {
    %c0_i32 = arith.constant 0 : i32
    %c0_i32_0 = arith.constant 0 : i32
    %c0_i32_1 = arith.constant 0 : i32
    return %c0_i32, %arg0, %c0_i32_0 : i32, i32, i32
  }
  func.func @transform_1(%arg0: i32) -> (i32, i32, i32) {
    %c0_i32 = arith.constant 0 : i32
    %c0_i32_0 = arith.constant 0 : i32
    %c0_i32_1 = arith.constant 0 : i32
    return %c0_i32, %arg0, %c0_i32_0 : i32, i32, i32
  }
  func.func @transform_2(%arg0: i32) -> (i32, i32, i32) {
    %c0_i32 = arith.constant 0 : i32
    %c0_i32_0 = arith.constant 0 : i32
    %c0_i32_1 = arith.constant 0 : i32
    return %c0_i32, %arg0, %c0_i32_0 : i32, i32, i32
  }
  func.func @transform_3(%arg0: i32) -> (i32, i32) {
    %c0_i32 = arith.constant 0 : i32
    %c0_i32_0 = arith.constant 0 : i32
    %c0_i32_1 = arith.constant 0 : i32
    return %c0_i32, %c0_i32_0 : i32, i32
  }
  func.func @transform_4(%arg0: i32) -> (i32, i32) {
    %c0_i32 = arith.constant 0 : i32
    %c0_i32_0 = arith.constant 0 : i32
    %c0_i32_1 = arith.constant 0 : i32
    return %c0_i32, %c0_i32_0 : i32, i32
  }
  func.func @transform_5(%arg0: i32) -> (i32, i32, i32) {
    %c0_i32 = arith.constant 0 : i32
    %c0_i32_0 = arith.constant 0 : i32
    %c0_i32_1 = arith.constant 0 : i32
    return %c0_i32, %arg0, %c0_i32_0 : i32, i32, i32
  }
}

module attributes {stable_mosaic.version = 14 : i64} {
  func.func @_epi_body(%arg0: i32, %arg1: memref<2x1000x128xf32, #tpu.memory_space<vmem>>, %arg2: memref<2x1000x128xf32, #tpu.memory_space<vmem>>, %arg3: memref<2x1000x16xf32, #tpu.memory_space<vmem>>, %arg4: memref<1x256xf32, #tpu.memory_space<vmem>>, %arg5: memref<1000x256xf32, #tpu.memory_space<vmem>>) attributes {dimension_semantics = [#tpu.dimension_semantics<arbitrary>], iteration_bounds = array<i64: 10>, scalar_prefetch = 0 : i64, scratch_operands = 0 : i64, tpu.core_type = #tpu.core_type<tc>, window_params = [{transform_indices = @transform_0, window_bounds = array<i64: 2, 1000, 128>}, {transform_indices = @transform_1, window_bounds = array<i64: 2, 1000, 128>}, {transform_indices = @transform_2, window_bounds = array<i64: 2, 1000, 16>}, {pipeline_mode = #tpu.pipeline_mode<synchronous>, transform_indices = @transform_3, window_bounds = array<i64: 1, 256>}, {transform_indices = @transform_4, window_bounds = array<i64: 1000, 256>}]} {
    %get3A = arith.constant 0 : index
    %get3A_0 = arith.constant 0 : index
    %get3A_1 = arith.constant 0 : index
    %get3A_2 = vector.load %arg3[%get3A, %get3A_0, %get3A_1] : memref<2x1000x16xf32, #tpu.memory_space<vmem>>, vector<2x1000x16xf32>
    %slice3A = vector.extract_strided_slice %get3A_2 {offsets = [0, 0, 0], sizes = [1, 1000, 1], strides = [1, 1, 1]} : vector<2x1000x16xf32> to vector<1x1000x1xf32>
    %squeeze3A = vector.shape_cast %slice3A : vector<1x1000x1xf32> to vector<1000xf32>
    %slice3A_3 = vector.extract_strided_slice %get3A_2 {offsets = [1, 0, 0], sizes = [1, 1000, 1], strides = [1, 1, 1]} : vector<2x1000x16xf32> to vector<1x1000x1xf32>
    %squeeze3A_4 = vector.shape_cast %slice3A_3 : vector<1x1000x1xf32> to vector<1000xf32>
    %add3A = arith.addf %squeeze3A, %squeeze3A_4 : vector<1000xf32>
    %add3A_5 = arith.constant 1.000000e+00 : f32
    %add3A_6 = vector.broadcast %add3A_5 : f32 to vector<1000xf32>
    %add3A_7 = arith.addf %add3A, %add3A_6 : vector<1000xf32>
    %rsqrt3A = math.rsqrt %add3A_7 : vector<1000xf32>
    %broadcast_in_dim3A = vector.shape_cast %rsqrt3A : vector<1000xf32> to vector<1000x1xf32>
    %get3A_8 = arith.constant 0 : index
    %get3A_9 = arith.constant 0 : index
    %get3A_10 = arith.constant 0 : index
    %get3A_11 = vector.load %arg1[%get3A_8, %get3A_9, %get3A_10] : memref<2x1000x128xf32, #tpu.memory_space<vmem>>, vector<1x1000x128xf32>
    %get3A_12 = vector.shape_cast %get3A_11 : vector<1x1000x128xf32> to vector<1000x128xf32>
    %get3A_13 = arith.constant 0 : index
    %get3A_14 = arith.constant 0 : index
    %get3A_15 = arith.constant 0 : index
    %get3A_16 = vector.load %arg2[%get3A_13, %get3A_14, %get3A_15] : memref<2x1000x128xf32, #tpu.memory_space<vmem>>, vector<1x1000x128xf32>
    %get3A_17 = vector.shape_cast %get3A_16 : vector<1x1000x128xf32> to vector<1000x128xf32>
    %add3A_18 = arith.addf %get3A_12, %get3A_17 : vector<1000x128xf32>
    %mul3A = vector.broadcast %broadcast_in_dim3A : vector<1000x1xf32> to vector<1000x128xf32>
    %mul3A_19 = arith.mulf %mul3A, %add3A_18 : vector<1000x128xf32>
    %get3A_20 = arith.constant 0 : index
    %get3A_21 = arith.constant 0 : index
    %get3A_22 = vector.load %arg4[%get3A_20, %get3A_21] : memref<1x256xf32, #tpu.memory_space<vmem>>, vector<1x128xf32>
    %get3A_23 = vector.shape_cast %get3A_22 : vector<1x128xf32> to vector<128xf32>
    %broadcast_in_dim3A_24 = vector.shape_cast %get3A_23 : vector<128xf32> to vector<1x128xf32>
    %add3A_25 = vector.broadcast %broadcast_in_dim3A_24 : vector<1x128xf32> to vector<1000x128xf32>
    %add3A_26 = arith.addf %mul3A_19, %add3A_25 : vector<1000x128xf32>
    %max3A = arith.constant 0.000000e+00 : f32
    %max3A_27 = vector.broadcast %max3A : f32 to vector<1000x128xf32>
    %max3A_28 = arith.maximumf %add3A_26, %max3A_27 : vector<1000x128xf32>
    %swap3A = arith.constant 0 : index
    %swap3A_29 = arith.constant 0 : index
    %swap3A_30 = vector.load %arg5[%swap3A, %swap3A_29] : memref<1000x256xf32, #tpu.memory_space<vmem>>, vector<1000x128xf32>
    tpu.vector_store %arg5[%swap3A, %swap3A_29], %max3A_28 {strides = array<i32>} : memref<1000x256xf32, #tpu.memory_space<vmem>>, vector<1000x128xf32>,
    %get3A_31 = arith.constant 1 : index
    %get3A_32 = arith.constant 0 : index
    %get3A_33 = arith.constant 0 : index
    %get3A_34 = vector.load %arg1[%get3A_31, %get3A_32, %get3A_33] : memref<2x1000x128xf32, #tpu.memory_space<vmem>>, vector<1x1000x128xf32>
    %get3A_35 = vector.shape_cast %get3A_34 : vector<1x1000x128xf32> to vector<1000x128xf32>
    %get3A_36 = arith.constant 1 : index
    %get3A_37 = arith.constant 0 : index
    %get3A_38 = arith.constant 0 : index
    %get3A_39 = vector.load %arg2[%get3A_36, %get3A_37, %get3A_38] : memref<2x1000x128xf32, #tpu.memory_space<vmem>>, vector<1x1000x128xf32>
    %get3A_40 = vector.shape_cast %get3A_39 : vector<1x1000x128xf32> to vector<1000x128xf32>
    %add3A_41 = arith.addf %get3A_35, %get3A_40 : vector<1000x128xf32>
    %mul3A_42 = vector.broadcast %broadcast_in_dim3A : vector<1000x1xf32> to vector<1000x128xf32>
    %mul3A_43 = arith.mulf %mul3A_42, %add3A_41 : vector<1000x128xf32>
    %get3A_44 = arith.constant 0 : index
    %get3A_45 = arith.constant 128 : index
    %get3A_46 = vector.load %arg4[%get3A_44, %get3A_45] : memref<1x256xf32, #tpu.memory_space<vmem>>, vector<1x128xf32>
    %get3A_47 = vector.shape_cast %get3A_46 : vector<1x128xf32> to vector<128xf32>
    %broadcast_in_dim3A_48 = vector.shape_cast %get3A_47 : vector<128xf32> to vector<1x128xf32>
    %add3A_49 = vector.broadcast %broadcast_in_dim3A_48 : vector<1x128xf32> to vector<1000x128xf32>
    %add3A_50 = arith.addf %mul3A_43, %add3A_49 : vector<1000x128xf32>
    %max3A_51 = arith.constant 0.000000e+00 : f32
    %max3A_52 = vector.broadcast %max3A_51 : f32 to vector<1000x128xf32>
    %max3A_53 = arith.maximumf %add3A_50, %max3A_52 : vector<1000x128xf32>
    %swap3A_54 = arith.constant 0 : index
    %swap3A_55 = arith.constant 128 : index
    %swap3A_56 = vector.load %arg5[%swap3A_54, %swap3A_55] : memref<1000x256xf32, #tpu.memory_space<vmem>>, vector<1000x128xf32>
    tpu.vector_store %arg5[%swap3A_54, %swap3A_55], %max3A_53 {strides = array<i32>} : memref<1000x256xf32, #tpu.memory_space<vmem>>, vector<1000x128xf32>,
    return
  }
  func.func @transform_0(%arg0: i32) -> (i32, i32, i32) {
    %c0_i32 = arith.constant 0 : i32
    %c0_i32_0 = arith.constant 0 : i32
    %c0_i32_1 = arith.constant 0 : i32
    return %c0_i32, %arg0, %c0_i32_0 : i32, i32, i32
  }
  func.func @transform_1(%arg0: i32) -> (i32, i32, i32) {
    %c0_i32 = arith.constant 0 : i32
    %c0_i32_0 = arith.constant 0 : i32
    %c0_i32_1 = arith.constant 0 : i32
    return %c0_i32, %arg0, %c0_i32_0 : i32, i32, i32
  }
  func.func @transform_2(%arg0: i32) -> (i32, i32, i32) {
    %c0_i32 = arith.constant 0 : i32
    %c0_i32_0 = arith.constant 0 : i32
    %c0_i32_1 = arith.constant 0 : i32
    return %c0_i32, %arg0, %c0_i32_0 : i32, i32, i32
  }
  func.func @transform_3(%arg0: i32) -> (i32, i32) {
    %c0_i32 = arith.constant 0 : i32
    %c0_i32_0 = arith.constant 0 : i32
    %c0_i32_1 = arith.constant 0 : i32
    return %c0_i32, %c0_i32_0 : i32, i32
  }
  func.func @transform_4(%arg0: i32) -> (i32, i32) {
    %c0_i32 = arith.constant 0 : i32
    %c0_i32_0 = arith.constant 0 : i32
    return %arg0, %c0_i32 : i32, i32
  }
}

</mosaic_0001>

<sc_bundles>
// kernel: kernel.11.cloned.1.call-start
scs
__scs_entry_jumppad:
0x0: {  	(pc) =	sbr.rel $0x88, $3  }
0x1: {  	(tag) =	ssettag $0x0;
	lr =	simm.s32 $0x1  }
0x2: {  	[smem:$0x3F9B] =	sst lr;
	_ =	strace $0xD0000000  }
0x3: {  	_ = 	snop  }
0x4: {  	_ = 	snop  }
0x5: {  	_ = 	snop  }
0x6: {  	_ = 	snop  }
0x7: {  	_ = 	snop  }
__scs_overlays_trampoline_lowered:
0x8: {  	[smem:$0x3FAA] =	sst s0  }
0x9: {  	[smem:$0x3FAB] =	sst s1  }
0xa: {  	[smem:$0x3FAC] =	sst s2  }
0xb: {  	[smem:$0x3FAD] =	sst s3  }
0xc: {  	[smem:$0x3FAE] =	sst s4  }
0xd: {  	[smem:$0x3FAF] =	sst s5  }
0xe: {  	[smem:$0x3FB0] =	sst s6  }
0xf: {  	[smem:$0x3FB1] =	sst s7  }
0x10: {  	[smem:$0x3FB2] =	sst s8  }
0x11: {  	[smem:$0x3FB3] =	sst s9;
	s0 =	simm.s32 @!p0 $0x0  }
0x12: {  	s1 =	sld [smem:$0x3F99];
	s0 =	simm.s32 @p0 $0x1  }
0x13: {  	[smem:$0x3FB4] =	sst s0;
	s0 =	simm.s32 @!p1 $0x0  }
0x14: {  	s2 =	sld [smem:$0x3F98];
	s0 =	simm.s32 @p1 $0x1  }
0x15: {  	[smem:$0x3FB5] =	sst s0;
	s0 =	simm.s32 @!p2 $0x0  }
0x16: {  	s3 =	sld [smem:$0x3FDB];
	s0 =	simm.s32 @p2 $0x1  }
0x17: {  	s4 =	simm.s32 $0x1BF5;
	[smem:$0x3FB7] =	sst s0  }
0x18: {  	s0 =	sld [smem:$0x3F9A];
	_ =	swait.ge [sflag:s4], $0x0  }
0x19: {  	s7 =	sld [smem:$0x3F9B]  }
0x1a: {  	s8 =	sadd.s32 $0xFFFFE003, lr  }
0x1b: {  	s9 =	sadd.s32 $0xFFFFFEF7, lr;
	s5 =	simm.s32 $0xFFFFFFFF;
	p2 =	slt.u32 s8, $0xFFFFF086  }
0x1c: {  	p1 =	slt.u32 s9, $0xF7A;
	s5 =	simm.s32 @!p2 $0x0  }
0x1d: {  	s5 =	simm.s32 @p1 $0x1;
	p0 =	seq.s32 s7, s2  }
0x1e: {  	s7 =	smul.u32 @!p0 $0xF7A, s2;
	p2 =	seq.s32 @!p0 s5, $0x0  }
0x1f: {  	s9 =	smul.u32 $0xF7A, s1;
	s8 =	simm.s32 @!p0 $0x1BF5;
	p2 =	por !p2, p0  }
0x20: {  	[sflag:s8] =	ssyncset.s32 @!p0 $0xFFFFF086;
	s6 =	sadd.s32 @!p0 s3, s7;
	s7 =	simm.s32 @!p0 $0x108  }
0x21: {  	s3 =	sadd.s32 s3, s9;
	s6 =	sadd.s32 @!p0 $0x88, s6;
	s7 =	simm.s32 @p2 $0x1082  }
0x22: {  	[simem:s7], [sflag:s8] =	dma.local @!p0 [hbm:s6], $0xF7A  }
0x23: {  	s9 =	sor.u32 $0xD0000000, s2;
	s6 =	simm.s32 $0x108;
	_ =	swait.ge @!p0 [sflag:s8], $0x0  }
0x24: {  	s3 =	sadd.s32 $0x88, s3;
	s6 =	simm.s32 @!p1 $0x1082;
	[sflag:s4] =	ssyncset.s32 $0xFFFFF086  }
0x25: {  	[simem:s6], [sflag:s4] =	dma.local [hbm:s3], $0xF7A  }
0x26: {  	[smem:$0x3F9B] =	sst s1;
	(tag) =	ssettag s2;
	_ =	strace s9  }
0x27: {  	s1 =	sld [smem:$0x3FAB]  }
0x28: {  	s2 =	sld [smem:$0x3FAC]  }
0x29: {  	s4 =	sld [smem:$0x3FAE]  }
0x2a: {  	p0 =	seq.s32 s5, $0x0;
	s5 =	sld [smem:$0x3FAF]  }
0x2b: {  	s6 =	sld [smem:$0x3FB0]  }
0x2c: {  	s7 =	sld [smem:$0x3FB1]  }
0x2d: {  	s3 =	simm.s32 $0x108;
	s8 =	sld [smem:$0x3FB2]  }
0x2e: {  	s3 =	simm.s32 @!p0 $0x1082;
	s9 =	sld [smem:$0x3FB3]  }
0x2f: {  	lr =	sadd.s32 s0, s3;
	s0 =	sld [smem:$0x3FAA]  }
0x30: {  	s3 =	sld [smem:$0x3FAD]  }
0x31: {  	[smem:$0x3FB6] =	sst s10  }
0x32: {  	s10 =	sld [smem:$0x3FB4];
	_ =	sdelay $0x3  }
0x33: {  	p0 =	seq.s32 s10, $0x1;
	s10 =	sld [smem:$0x3FB6];
	_ =	sdelay $0x3  }
0x34: {  	[smem:$0x3FB6] =	sst s10  }
0x35: {  	s10 =	sld [smem:$0x3FB5];
	_ =	sdelay $0x3  }
0x36: {  	p1 =	seq.s32 s10, $0x1;
	s10 =	sld [smem:$0x3FB6];
	_ =	sdelay $0x3  }
0x37: {  	[smem:$0x3FB6] =	sst s10  }
0x38: {  	s10 =	sld [smem:$0x3FB7]  }
0x39: {  	_ = 	snop;
	(pc) =	sbr.ind lr, $3  }
0x3a: {  	_ = 	snop  }
0x3b: {  	_ = 	snop  }
0x3c: {  	p2 =	seq.s32 s10, $0x1;
	s10 =	sld [smem:$0x3FB6]  }
0x3d: {  	_ =	shalt  }
0x3e: {  	_ =	shalt  }
0x3f: {  	_ =	shalt  }
0x40: {  	_ =	shalt  }
0x41: {  	_ =	shalt  }
0x42: {  	_ =	shalt  }
0x43: {  	_ =	shalt  }
0x44: {  	_ =	shalt  }
0x45: {  	_ =	shalt  }
0x46: {  	_ =	shalt  }
0x47: {  	_ =	shalt  }
0x48: {  	_ =	shalt  }
0x49: {  	_ =	shalt  }
0x4a: {  	_ =	shalt  }
0x4b: {  	_ =	shalt  }
0x4c: {  	_ =	shalt  }
0x4d: {  	_ =	shalt  }
0x4e: {  	_ =	shalt  }
0x4f: {  	_ =	shalt  }
0x50: {  	_ =	shalt  }
0x51: {  	_ =	shalt  }
0x52: {  	_ =	shalt  }
0x53: {  	_ =	shalt  }
0x54: {  	_ =	shalt  }
0x55: {  	_ =	shalt  }
0x56: {  	_ =	shalt  }
0x57: {  	_ =	shalt  }
0x58: {  	_ =	shalt  }
0x59: {  	_ =	shalt  }
0x5a: {  	_ =	shalt  }
0x5b: {  	_ =	shalt  }
0x5c: {  	_ =	shalt  }
0x5d: {  	_ =	shalt  }
0x5e: {  	_ =	shalt  }
0x5f: {  	_ =	shalt  }
0x60: {  	_ =	shalt  }
0x61: {  	_ =	shalt  }
0x62: {  	_ =	shalt  }
0x63: {  	_ =	shalt  }
0x64: {  	_ =	shalt  }
0x65: {  	_ =	shalt  }
0x66: {  	_ =	shalt  }
0x67: {  	_ =	shalt  }
0x68: {  	_ =	shalt  }
0x69: {  	_ =	shalt  }
0x6a: {  	_ =	shalt  }
0x6b: {  	_ =	shalt  }
0x6c: {  	_ =	shalt  }
0x6d: {  	_ =	shalt  }
0x6e: {  	_ =	shalt  }
0x6f: {  	_ =	shalt  }
0x70: {  	_ =	shalt  }
0x71: {  	_ =	shalt  }
0x72: {  	_ =	shalt  }
0x73: {  	_ =	shalt  }
0x74: {  	_ =	shalt  }
0x75: {  	_ =	shalt  }
0x76: {  	_ =	shalt  }
0x77: {  	_ =	shalt  }
0x78: {  	_ =	shalt  }
0x79: {  	_ =	shalt  }
0x7a: {  	_ =	shalt  }
0x7b: {  	_ =	shalt  }
0x7c: {  	_ =	shalt  }
0x7d: {  	_ =	shalt  }
0x7e: {  	_ =	shalt  }
0x7f: {  	_ =	shalt  }
0x80: {  	_ =	shalt  }
0x81: {  	_ =	shalt  }
0x82: {  	_ =	shalt  }
0x83: {  	_ =	shalt  }
0x84: {  	_ =	shalt  }
0x85: {  	_ =	shalt  }
0x86: {  	_ =	shalt  }
0x87: {  	_ =	shalt  }
.Lfunc_end0:
.L_simem_size_0:
called_computation.1_lowered:
.L_overlay_start_0:
0x88: {  	s2 =	sld [smem:$0x3FD9]  }
0x89: {  	s3 =	sld [smem:$0x3FFE];
	_ =	sdelay $0x1  }
0x8a: {  	s1 =	srdreg.scid  }
0x8b: {  	s0 =	sand.u32 $0x1, s1  }
0x8c: {  	s17 =	sshll.u32 s0, $0xA;
	s2 =	sadd.s32 s3, s2  }
0x8d: {  	s2 =	sadd.s32 s2, s17  }
0x8e: {  	[smem:$0x3FC2] =	sst s2  }
0x8f: {  	_ = 	snop  }
0x90: {  	s2 =	sld [smem:$0x3FD0];
	(tm) =	ssettm $0x1  }
0x91: {  	s18 =	sld [smem:$0x3FFB];
	_ =	sdelay $0x3  }
0x92: {  	_ =	strace s18  }
0x93: {  	s3 =	sld [smem:$0x3FFC];
	_ =	sdelay $0x3  }
0x94: {  	_ =	strace s3  }
0x95: {  	s3 =	sld [smem:$0x3FFD];
	_ =	sdelay $0x3  }
0x96: {  	_ =	strace s3  }
0x97: {  	_ =	strace $0x8FFFFFFF  }
0x98: {  	s19 =	sld [smem:$0x3FDB];
	_ =	sdelay $0x1  }
0x99: {  	s4 =	simm.s32 $_scs_section_size  }
0x9a: {  	s5 =	simm.s32 $_size__tile_overlayer_lowered;
	s6 =	simm.s32 $_tile_overlayer_lowered  }
0x9b: {  	s22 =	simm.s32 $0x1BFF;
	s21 =	sshll.u32 s6, $0x1;
	s3 =	sadd.s32 s4, s19  }
0x9c: {  	s7 =	simm.s32 $0x0;
	s20 =	sshll.u32 s5, $0x1;
	s5 =	sadd.s32 s21, s3  }
0x9d: {  	[timem:s7], [sflag:s22] =	dma.local [hbm:s5], s20  }
0x9e: {  	_ =	swait.ge [sflag:s22], s20  }
0x9f: {  	s4 =	ssub.s32 $0x0, s20;
	[sflag:s22] =	ssyncset.done $0x0  }
0xa0: {  	[sflag:s22] =	ssyncadd.s32 s4;
	_ =	sdelay $0x1  }
0xa1: {  	s23 =	simm.s32 $0x1B8B  }
0xa2: {  	_ =	swait.ge [sflag:s23], $0x1  }
0xa3: {  	[sflag:s23] =	ssyncset.done $0x0  }
0xa4: {  	s25 =	simm.s32 $0x1B8E;
	s24 =	sld [smem:$0x3FFE];
	[sflag:s23] =	ssyncadd.s32 $0xFFFFFFFF  }
0xa5: {  	s26 =	simm.s32 $execute0_lowered;
	[smem:$0x3FD2] =	sst s25  }
0xa6: {  	s5 =	sshll.u32 s26, $0x1;
	_ =	strace $0x80000049;
	[dreg:$0x1] =	wrdreg $0xFFFFFFFF  }
0xa7: {  	s28 =	simm.s32 $_size_execute0_lowered;
	s3 =	sadd.s32 s3, s5;
	[dreg:$0x0] =	wrdreg $0x0  }
0xa8: {  	s5 =	sshll.u32 s28, $0x1;
	[dreg:$0x2] =	wrdreg s3  }
0xa9: {  	[dreg:$0x3] =	wrdreg s5  }
0xaa: {  	[dreg:$0x4] =	wrdreg $0xC0  }
0xab: {  	_ =	task [dreg:s7], $0x5FFFF  }
0xac: {  	[dreg:$0x1] =	wrdreg $0xFFFFFFFF  }
0xad: {  	[dreg:$0x0] =	wrdreg $0x60  }
0xae: {  	[dreg:$0x2] =	wrdreg s2  }
0xaf: {  	[dreg:$0x3] =	wrdreg s24  }
0xb0: {  	[dreg:$0x4] =	wrdreg $0x0  }
0xb1: {  	[dreg:$0x5] =	wrdreg $0x9  }
0xb2: {  	_ =	task.clear_ibuf [dreg:s7], $0x6FFFF;
	_ =	strace $0x90000049  }
0xb3: {  	s29 =	simm.s32 $0x9;
	_ =	strace $0x8000004B  }
0xb4: {  	_ =	swait.ge [sflag:s29], $0x1  }
0xb5: {  	[sflag:s29] =	ssyncadd.s32 $0xFFFFFFFF  }
0xb6: {  	_ =	strace $0x9000004B  }
0xb7: {  	_ =	sfence  }
0xb8: {  	s30 =	sld [smem:$0x0];
	_ =	sdelay $0x2  }
0xb9: {  	s31 =	sshll.u32 s1, $0xD;
	s1 =	sshrl.u32 s1, $0x2  }
0xba: {  	s3 =	sand.u32 $0x4000, s31;
	s1 =	sadd.s32 s1, s30  }
0xbb: {  	s0 =	sor.u32 s3, s0;
	s1 =	sshll.u32 s1, $0x11  }
0xbc: {  	s0 =	sor.u32 s1, s0  }
0xbd: {  	s0 =	sadd.s32 $0x8F2B, s0  }
0xbe: {  	[sflag:s0] =	ssyncadd.remote.s32 $0x1  }
0xbf: {  	_ =	sfence.sel $0xFFFF  }
0xc0: {  	[dreg:$0x0] =	wrdreg $0xFFFFFFFF;
	(pc) =	sbr.abs _section_cstart, $3  }
0xc1: {  	[dreg:$0x1] =	wrdreg $0xFFFFFFFF  }
0xc2: {  	_ =	task.clear_ibuf [dreg:s7], $0x2FFFF;
	_ =	strace $0x9FFFFFFF  }
0xc3: {  	(tm) =	ssettm $0x7FFFFFFF  }
tec
execute0_lowered:
.L_overlay_start_1:
0x0: {  	(tag) =	ssettag $0x1  }
0x1: {  	s1 =	rddreg [dreg:$0x0]  }
0x2: {  	s2 =	srdreg.scid;
	s5 =	rddreg [dreg:$0x1]  }
0x3: {  	s0 =	stileid.u32;
	s3 =	rddreg [dreg:$0x2];
	s4 =	simm.s32 $0x0  }
0x4: {  	s14 =	simm.s32 $0x14000;
	s15 =	simm.s32 $0x2;
	s16 =	simm.s32 $0x18000  }
0x5: {  	s17 =	simm.s32 $0x18080;
	s18 =	simm.s32 $0x80;
	s7 =	smul.u32 $0x2800, s0  }
0x6: {  	s19 =	simm.s32 $0x1;
	s22 =	simm.s32 $0x0;
	s28 =	smul.u32 $0x500, s0  }
0x7: {  	s6 =	sand.u32 $0x1, s2;
	s2 =	rddreg [dreg:$0x3];
	s10 =	smul.u32 $0x50000, s0  }
0x8: {  	[smem:$0x7FF] =	sst s4;
	s20 =	sshll.u32 s0, $0x6;
	s8 =	smul.u32 $0x28000, s6  }
0x9: {  	_ =	strace $0x8000004A;
	s6 =	ssub.s32 $0x2, s6;
	s20 =	sor.u32 $0x1C02, s20  }
0xa: {  	s13 =	sadd.s32 s28, s5;
	s29 =	sshrl.u32 s6, $0x1;
	s30 =	sshrl.u32 s10, $0x2  }
0xb: {  	s7 =	sadd.s32 s7, s8;
	s11 =	ssub.s32 s6, s29;
	s13 =	sadd.s32 $0x3600, s13  }
0xc: {  	s9 =	sshrl.u32 s7, $0x3;
	s31 =	sadd.s32 s7, s5;
	s11 =	smax.u32 s11, $0x1  }
0xd: {  	s12 =	sadd.s32 s9, s5;
	s5 =	sadd.s32 s30, s3;
	s10 =	sadd.s32 $0x62600, s31  }
0xe: {  	s6 =	sadd.s32 $0x4000, s5;
	s7 =	sadd.s32 $0x8000, s5;
	s8 =	sadd.s32 $0xC000, s5  }
0xf: {  	v0 =	vimm.f32 $0.0e+00;
	s9 =	sadd.s32 $0x10000, s5;
	s12 =	sadd.s32 $0x58600, s12;
	s21 =	sshrl.u32 s5, $0x3  }
.LBB2_1:
0x10: {  	s23 =	simm.s32 $0x0;
	s24 =	simm.s32 $0x200  }
.LBB2_2:
0x11: {  	p0 =	sne.s32 s24, $0xFE00;
	[tilespmem:s23+$0x14070] =	vst v0  }
0x12: {  	[tilespmem:s23+$0x14000] =	vst v0  }
0x13: {  	[tilespmem:s23+$0x14010] =	vst v0  }
.Ltmp0:
0x14: {  	[tilespmem:s23+$0x14020] =	vst v0;
	(pc) =	sbr.rel @p0 .LBB2_2-.Ltmp0, $4  }
0x15: {  	[tilespmem:s23+$0x14030] =	vst v0  }
0x16: {  	[tilespmem:s23+$0x14040] =	vst v0  }
0x17: {  	[tilespmem:s23+$0x14050] =	vst v0  }
0x18: {  	[tilespmem:s23+$0x14060] =	vst v0;
	s23 =	sshra.s32 s24, $0x2;
	s24 =	sadd.s32 $0x200, s24  }
0x19: {  	[tilespmem:s23+$0x14070] =	vst v0  }
0x1a: {  	[tilespmem:s23+$0x14000] =	vst v0  }
0x1b: {  	[tilespmem:s23+$0x14010] =	vst v0  }
0x1c: {  	[tilespmem:s23+$0x14020] =	vst v0  }
0x1d: {  	[tilespmem:s23+$0x14030] =	vst v0  }
0x1e: {  	[tilespmem:s23+$0x14040] =	vst v0  }
0x1f: {  	[tilespmem:s23+$0x14050] =	vst v0  }
0x20: {  	[tilespmem:s23+$0x14060] =	vst v0  }
0x21: {  	[spmem:s5] =	stream.linear.scatter [tilespmem:s14], [sflag:$0x2], $0x4000, $0x38;
	[tilespmem:$0x18100] =	vst v63  }
0x22: {  	_ =	swait.ge [sflag:s15], $0x4000  }
0x23: {  	[sflag:s15] =	ssyncset.done $0x0  }
0x24: {  	[sflag:s15] =	ssyncadd.s32 $0xFFFFC000  }
0x25: {  	[spmem:s6] =	stream.linear.scatter [tilespmem:s14], [sflag:$0x2], $0x4000, $0x38;
	[tilespmem:$0x18100] =	vst v63  }
0x26: {  	_ =	swait.ge [sflag:s15], $0x4000  }
0x27: {  	[sflag:s15] =	ssyncset.done $0x0  }
0x28: {  	[sflag:s15] =	ssyncadd.s32 $0xFFFFC000  }
0x29: {  	[spmem:s7] =	stream.linear.scatter [tilespmem:s14], [sflag:$0x2], $0x4000, $0x38;
	[tilespmem:$0x18100] =	vst v63  }
0x2a: {  	_ =	swait.ge [sflag:s15], $0x4000  }
0x2b: {  	[sflag:s15] =	ssyncset.done $0x0  }
0x2c: {  	[sflag:s15] =	ssyncadd.s32 $0xFFFFC000  }
0x2d: {  	[spmem:s8] =	stream.linear.scatter [tilespmem:s14], [sflag:$0x2], $0x4000, $0x38;
	[tilespmem:$0x18100] =	vst v63  }
0x2e: {  	_ =	swait.ge [sflag:s15], $0x4000  }
0x2f: {  	[sflag:s15] =	ssyncset.done $0x0  }
0x30: {  	[sflag:s15] =	ssyncadd.s32 $0xFFFFC000  }
0x31: {  	[spmem:s9] =	stream.linear.scatter [tilespmem:s14], [sflag:$0x2], $0x4000, $0x38;
	[tilespmem:$0x18100] =	vst v63  }
0x32: {  	_ =	swait.ge [sflag:s15], $0x4000  }
0x33: {  	[sflag:s15] =	ssyncset.done $0x0  }
0x34: {  	[sflag:s15] =	ssyncadd.s32 $0xFFFFC000  }
0x35: {  	s30 =	sadd.s32 $0x0, s12;
	[bflag:$0x0] =	sbarrier.arrive $0xFFFF  }
0x36: {  	[tilespmem:s16], [sflag:$0x2] =	stream.linear.gather [hbm4b:s30+s4], $0x80, $0x38;
	[tilespmem:$0x18100] =	vst v63  }
0x37: {  	_ =	swait.ge [sflag:s15], $0x80  }
0x38: {  	[sflag:s15] =	ssyncset.done $0x0  }
0x39: {  	s31 =	sadd.s32 $0x0, s13;
	[sflag:s15] =	ssyncadd.s32 $0xFFFFFF80  }
0x3a: {  	[tilespmem:s17], [sflag:$0x2] =	stream.linear.gather [hbm4b:s31+s4], $0x80, $0x38;
	[tilespmem:$0x18100] =	vst v63  }
0x3b: {  	_ =	swait.ge [sflag:s15], $0x80  }
0x3c: {  	[sflag:s15] =	ssyncset.done $0x0  }
0x3d: {  	[sflag:s15] =	ssyncadd.s32 $0xFFFFFF80  }
0x3e: {  	[tilespmem:s14], [sflag:$0x1] =	stream.indirect.gather [hbm4b:s1+s18], $0x80, s16, s18, $0xb8;
	[tilespmem:$0x18100] =	vst v63  }
0x3f: {  	_ =	swait.ge [sflag:s19], $0x4000  }
0x40: {  	[sflag:s19] =	ssyncset.done $0x0  }
0x41: {  	[sflag:s19] =	ssyncadd.s32 $0xFFFFC000  }
0x42: {  	[spmem:s3] =	stream.indirect.scatter.add.f32 [tilespmem:s14], [sflag:$0x2], $0x80, s17, s18, $0xb8;
	[tilespmem:$0x18100] =	vst v63  }
0x43: {  	_ =	swait.ge [sflag:s15], $0x4000  }
0x44: {  	s23 =	simm.s32 $0x10;
	s24 =	simm.s32 $0x20;
	[sflag:s15] =	ssyncset.done $0x0  }
.LBB2_4:
0x45: {  	s25 =	sadd.s32 s23, s12  }
0x46: {  	[sflag:s15] =	ssyncadd.s32 $0xFFFFC000;
	s26 =	smov.u32 s24;
	s28 =	sadd.s32 $0x10, s24  }
0x47: {  	[tilespmem:s16], [sflag:$0x2] =	stream.linear.gather [hbm4b:s25+s4], $0x80, $0x38;
	[tilespmem:$0x18100] =	vst v63  }
0x48: {  	p0 =	sne.s32 s24, $0x4F0;
	_ =	swait.ge [sflag:s15], $0x80  }
0x49: {  	[sflag:s15] =	ssyncset.done $0x0  }
0x4a: {  	s24 =	sadd.s32 s23, s13;
	s23 =	smov.u32 s26;
	[sflag:s15] =	ssyncadd.s32 $0xFFFFFF80  }
0x4b: {  	[tilespmem:s17], [sflag:$0x2] =	stream.linear.gather [hbm4b:s24+s4], $0x80, $0x38;
	[tilespmem:$0x18100] =	vst v63  }
0x4c: {  	_ =	swait.ge [sflag:s15], $0x80  }
0x4d: {  	[sflag:s15] =	ssyncset.done $0x0  }
0x4e: {  	[sflag:s15] =	ssyncadd.s32 $0xFFFFFF80  }
0x4f: {  	[tilespmem:s14], [sflag:$0x1] =	stream.indirect.gather [hbm4b:s1+s18], $0x80, s16, s18, $0xb8;
	[tilespmem:$0x18100] =	vst v63  }
0x50: {  	_ =	swait.ge [sflag:s19], $0x4000  }
.Ltmp1:
0x51: {  	[sflag:s19] =	ssyncset.done $0x0;
	(pc) =	sbr.rel @p0 .LBB2_4-.Ltmp1, $4  }
0x52: {  	[sflag:s19] =	ssyncadd.s32 $0xFFFFC000  }
0x53: {  	[spmem:s3] =	stream.indirect.scatter.add.f32 [tilespmem:s14], [sflag:$0x2], $0x80, s17, s18, $0xb8;
	[tilespmem:$0x18100] =	vst v63  }
0x54: {  	_ =	swait.ge [sflag:s15], $0x4000  }
0x55: {  	s24 =	smov.u32 s28;
	[sflag:s15] =	ssyncset.done $0x0  }
0x56: {  	s24 =	sadd.s32 s23, s12;
	[sflag:s15] =	ssyncadd.s32 $0xFFFFC000  }
0x57: {  	[tilespmem:s16], [sflag:$0x2] =	stream.linear.gather [hbm4b:s24+s4], $0x80, $0x38;
	[tilespmem:$0x18100] =	vst v63  }
0x58: {  	_ =	swait.ge [sflag:s15], $0x80  }
0x59: {  	[sflag:s15] =	ssyncset.done $0x0  }
0x5a: {  	s31 =	sadd.s32 s23, s13;
	[sflag:s15] =	ssyncadd.s32 $0xFFFFFF80  }
0x5b: {  	[tilespmem:s17], [sflag:$0x2] =	stream.linear.gather [hbm4b:s31+s4], $0x80, $0x38;
	[tilespmem:$0x18100] =	vst v63  }
0x5c: {  	_ =	swait.ge [sflag:s15], $0x80  }
0x5d: {  	[sflag:s15] =	ssyncset.done $0x0  }
0x5e: {  	[sflag:s15] =	ssyncadd.s32 $0xFFFFFF80  }
0x5f: {  	[tilespmem:s14], [sflag:$0x1] =	stream.indirect.gather [hbm4b:s1+s18], $0x80, s16, s18, $0xb8;
	[tilespmem:$0x18100] =	vst v63  }
0x60: {  	_ =	swait.ge [sflag:s19], $0x4000  }
0x61: {  	[sflag:s19] =	ssyncset.done $0x0  }
0x62: {  	[sflag:s19] =	ssyncadd.s32 $0xFFFFC000  }
0x63: {  	[spmem:s3] =	stream.indirect.scatter.add.f32 [tilespmem:s14], [sflag:$0x2], $0x80, s17, s18, $0xb8;
	[tilespmem:$0x18100] =	vst v63  }
0x64: {  	_ =	swait.ge [sflag:s15], $0x4000  }
0x65: {  	s22 =	sadd.s32 $0x1, s22;
	[sflag:s15] =	ssyncset.done $0x0  }
0x66: {  	p0 =	sne.s32 s22, s11;
	[sflag:s15] =	ssyncadd.s32 $0xFFFFC000  }
.Ltmp2:
0x67: {  	[bflag:$0x0] =	sbarrier.arrive $0xFFFF;
	(pc) =	sbr.rel @p0 .LBB2_1-.Ltmp2, $4  }
0x68: {  	[hbm:s10], [sflag:s20] =	dma.local [spmem:s21], $0x2800  }
0x69: {  	_ =	swait.ge [sflag:s15], $0x2800  }
0x6a: {  	[sflag:s15] =	ssyncset.done $0x0  }
0x6b: {  	[sflag:s15] =	ssyncadd.s32 $0xFFFFD800  }
0x6c: {  	_ =	sfence.sel $0x180000  }
0x6d: {  	[bflag:$0x0] =	sbarrier.arrive $0xFFFF  }
0x6e: {  	p0 =	sne.s32 s0, $0x0;
	_ =	strace $0x9000004A  }
0x6f: {  	s0 =	sadd.s32 @!p0 $0x100000, s2;
	[bflag:$0x2] =	sbarrier.arrive $0xFFFF  }
0x70: {  	[sflag:s0] =	ssyncadd.tile.s32 @!p0 $0x1;
	_ =	shalt  }
.Lfunc_end2:
_tile_overlayer_lowered:
.L_overlay_start_2:
0x71: {  	(tag) =	ssettag $0x2  }
0x72: {  	s0 =	rddreg [dreg:$0x0];
	s2 =	stileid.u32  }
0x73: {  	s1 =	rddreg [dreg:$0x1];
	p0 =	sne.s32 s2, $0x0  }
0x74: {  	s3 =	rddreg [dreg:$0x2];
	[bflag:$0x3] =	sbarrier.arrive $0xFFFF;
	s2 =	simm.s32 @!p0 $0x1C02  }
0x75: {  	[timem:s3], [sflag:s2] =	dma.local @!p0 [hbm:s0], s1  }
0x76: {  	s0 =	simm.s32 @!p0 $0x2  }
0x77: {  	_ =	swait.ge @!p0 [sflag:s0], s1  }
0x78: {  	s1 =	ssub.s32 @!p0 $0x0, s1;
	[sflag:s0] =	ssyncset.done @!p0 $0x0  }
0x79: {  	[sflag:s0] =	ssyncadd.s32 @!p0 s1  }
0x7a: {  	[bflag:$0x3] =	sbarrier.arrive $0xFFFF  }
0x7b: {  	_ =	shalt  }

// kernel: kernel.14.cloned.1.call-start
scs
__scs_entry_jumppad:
0x0: {  	(pc) =	sbr.rel $0x88, $3  }
0x1: {  	(tag) =	ssettag $0x0;
	lr =	simm.s32 $0x1  }
0x2: {  	[smem:$0x3F9B] =	sst lr;
	_ =	strace $0xD0000000  }
0x3: {  	_ = 	snop  }
0x4: {  	_ = 	snop  }
0x5: {  	_ = 	snop  }
0x6: {  	_ = 	snop  }
0x7: {  	_ = 	snop  }
__scs_overlays_trampoline_lowered:
0x8: {  	[smem:$0x3FAA] =	sst s0  }
0x9: {  	[smem:$0x3FAB] =	sst s1  }
0xa: {  	[smem:$0x3FAC] =	sst s2  }
0xb: {  	[smem:$0x3FAD] =	sst s3  }
0xc: {  	[smem:$0x3FAE] =	sst s4  }
0xd: {  	[smem:$0x3FAF] =	sst s5  }
0xe: {  	[smem:$0x3FB0] =	sst s6  }
0xf: {  	[smem:$0x3FB1] =	sst s7  }
0x10: {  	[smem:$0x3FB2] =	sst s8  }
0x11: {  	[smem:$0x3FB3] =	sst s9;
	s0 =	simm.s32 @!p0 $0x0  }
0x12: {  	s1 =	sld [smem:$0x3F99];
	s0 =	simm.s32 @p0 $0x1  }
0x13: {  	[smem:$0x3FB4] =	sst s0;
	s0 =	simm.s32 @!p1 $0x0  }
0x14: {  	s2 =	sld [smem:$0x3F98];
	s0 =	simm.s32 @p1 $0x1  }
0x15: {  	[smem:$0x3FB5] =	sst s0;
	s0 =	simm.s32 @!p2 $0x0  }
0x16: {  	s3 =	sld [smem:$0x3FDB];
	s0 =	simm.s32 @p2 $0x1  }
0x17: {  	s4 =	simm.s32 $0x1BF5;
	[smem:$0x3FB7] =	sst s0  }
0x18: {  	s0 =	sld [smem:$0x3F9A];
	_ =	swait.ge [sflag:s4], $0x0  }
0x19: {  	s7 =	sld [smem:$0x3F9B]  }
0x1a: {  	s8 =	sadd.s32 $0xFFFFE003, lr  }
0x1b: {  	s9 =	sadd.s32 $0xFFFFFEF7, lr;
	s5 =	simm.s32 $0xFFFFFFFF;
	p2 =	slt.u32 s8, $0xFFFFF086  }
0x1c: {  	p1 =	slt.u32 s9, $0xF7A;
	s5 =	simm.s32 @!p2 $0x0  }
0x1d: {  	s5 =	simm.s32 @p1 $0x1;
	p0 =	seq.s32 s7, s2  }
0x1e: {  	s7 =	smul.u32 @!p0 $0xF7A, s2;
	p2 =	seq.s32 @!p0 s5, $0x0  }
0x1f: {  	s9 =	smul.u32 $0xF7A, s1;
	s8 =	simm.s32 @!p0 $0x1BF5;
	p2 =	por !p2, p0  }
0x20: {  	[sflag:s8] =	ssyncset.s32 @!p0 $0xFFFFF086;
	s6 =	sadd.s32 @!p0 s3, s7;
	s7 =	simm.s32 @!p0 $0x108  }
0x21: {  	s3 =	sadd.s32 s3, s9;
	s6 =	sadd.s32 @!p0 $0x88, s6;
	s7 =	simm.s32 @p2 $0x1082  }
0x22: {  	[simem:s7], [sflag:s8] =	dma.local @!p0 [hbm:s6], $0xF7A  }
0x23: {  	s9 =	sor.u32 $0xD0000000, s2;
	s6 =	simm.s32 $0x108;
	_ =	swait.ge @!p0 [sflag:s8], $0x0  }
0x24: {  	s3 =	sadd.s32 $0x88, s3;
	s6 =	simm.s32 @!p1 $0x1082;
	[sflag:s4] =	ssyncset.s32 $0xFFFFF086  }
0x25: {  	[simem:s6], [sflag:s4] =	dma.local [hbm:s3], $0xF7A  }
0x26: {  	[smem:$0x3F9B] =	sst s1;
	(tag) =	ssettag s2;
	_ =	strace s9  }
0x27: {  	s1 =	sld [smem:$0x3FAB]  }
0x28: {  	s2 =	sld [smem:$0x3FAC]  }
0x29: {  	s4 =	sld [smem:$0x3FAE]  }
0x2a: {  	p0 =	seq.s32 s5, $0x0;
	s5 =	sld [smem:$0x3FAF]  }
0x2b: {  	s6 =	sld [smem:$0x3FB0]  }
0x2c: {  	s7 =	sld [smem:$0x3FB1]  }
0x2d: {  	s3 =	simm.s32 $0x108;
	s8 =	sld [smem:$0x3FB2]  }
0x2e: {  	s3 =	simm.s32 @!p0 $0x1082;
	s9 =	sld [smem:$0x3FB3]  }
0x2f: {  	lr =	sadd.s32 s0, s3;
	s0 =	sld [smem:$0x3FAA]  }
0x30: {  	s3 =	sld [smem:$0x3FAD]  }
0x31: {  	[smem:$0x3FB6] =	sst s10  }
0x32: {  	s10 =	sld [smem:$0x3FB4];
	_ =	sdelay $0x3  }
0x33: {  	p0 =	seq.s32 s10, $0x1;
	s10 =	sld [smem:$0x3FB6];
	_ =	sdelay $0x3  }
0x34: {  	[smem:$0x3FB6] =	sst s10  }
0x35: {  	s10 =	sld [smem:$0x3FB5];
	_ =	sdelay $0x3  }
0x36: {  	p1 =	seq.s32 s10, $0x1;
	s10 =	sld [smem:$0x3FB6];
	_ =	sdelay $0x3  }
0x37: {  	[smem:$0x3FB6] =	sst s10  }
0x38: {  	s10 =	sld [smem:$0x3FB7]  }
0x39: {  	_ = 	snop;
	(pc) =	sbr.ind lr, $3  }
0x3a: {  	_ = 	snop  }
0x3b: {  	_ = 	snop  }
0x3c: {  	p2 =	seq.s32 s10, $0x1;
	s10 =	sld [smem:$0x3FB6]  }
0x3d: {  	_ =	shalt  }
0x3e: {  	_ =	shalt  }
0x3f: {  	_ =	shalt  }
0x40: {  	_ =	shalt  }
0x41: {  	_ =	shalt  }
0x42: {  	_ =	shalt  }
0x43: {  	_ =	shalt  }
0x44: {  	_ =	shalt  }
0x45: {  	_ =	shalt  }
0x46: {  	_ =	shalt  }
0x47: {  	_ =	shalt  }
0x48: {  	_ =	shalt  }
0x49: {  	_ =	shalt  }
0x4a: {  	_ =	shalt  }
0x4b: {  	_ =	shalt  }
0x4c: {  	_ =	shalt  }
0x4d: {  	_ =	shalt  }
0x4e: {  	_ =	shalt  }
0x4f: {  	_ =	shalt  }
0x50: {  	_ =	shalt  }
0x51: {  	_ =	shalt  }
0x52: {  	_ =	shalt  }
0x53: {  	_ =	shalt  }
0x54: {  	_ =	shalt  }
0x55: {  	_ =	shalt  }
0x56: {  	_ =	shalt  }
0x57: {  	_ =	shalt  }
0x58: {  	_ =	shalt  }
0x59: {  	_ =	shalt  }
0x5a: {  	_ =	shalt  }
0x5b: {  	_ =	shalt  }
0x5c: {  	_ =	shalt  }
0x5d: {  	_ =	shalt  }
0x5e: {  	_ =	shalt  }
0x5f: {  	_ =	shalt  }
0x60: {  	_ =	shalt  }
0x61: {  	_ =	shalt  }
0x62: {  	_ =	shalt  }
0x63: {  	_ =	shalt  }
0x64: {  	_ =	shalt  }
0x65: {  	_ =	shalt  }
0x66: {  	_ =	shalt  }
0x67: {  	_ =	shalt  }
0x68: {  	_ =	shalt  }
0x69: {  	_ =	shalt  }
0x6a: {  	_ =	shalt  }
0x6b: {  	_ =	shalt  }
0x6c: {  	_ =	shalt  }
0x6d: {  	_ =	shalt  }
0x6e: {  	_ =	shalt  }
0x6f: {  	_ =	shalt  }
0x70: {  	_ =	shalt  }
0x71: {  	_ =	shalt  }
0x72: {  	_ =	shalt  }
0x73: {  	_ =	shalt  }
0x74: {  	_ =	shalt  }
0x75: {  	_ =	shalt  }
0x76: {  	_ =	shalt  }
0x77: {  	_ =	shalt  }
0x78: {  	_ =	shalt  }
0x79: {  	_ =	shalt  }
0x7a: {  	_ =	shalt  }
0x7b: {  	_ =	shalt  }
0x7c: {  	_ =	shalt  }
0x7d: {  	_ =	shalt  }
0x7e: {  	_ =	shalt  }
0x7f: {  	_ =	shalt  }
0x80: {  	_ =	shalt  }
0x81: {  	_ =	shalt  }
0x82: {  	_ =	shalt  }
0x83: {  	_ =	shalt  }
0x84: {  	_ =	shalt  }
0x85: {  	_ =	shalt  }
0x86: {  	_ =	shalt  }
0x87: {  	_ =	shalt  }
.Lfunc_end0:
.L_simem_size_0:
called_computation.2_lowered:
.L_overlay_start_0:
0x88: {  	s2 =	sld [smem:$0x3FD9]  }
0x89: {  	s3 =	sld [smem:$0x3FFE];
	_ =	sdelay $0x1  }
0x8a: {  	s1 =	srdreg.scid  }
0x8b: {  	s0 =	sand.u32 $0x1, s1  }
0x8c: {  	s17 =	sshll.u32 s0, $0xA;
	s2 =	sadd.s32 s3, s2  }
0x8d: {  	s2 =	sadd.s32 s2, s17  }
0x8e: {  	[smem:$0x3FC2] =	sst s2  }
0x8f: {  	_ = 	snop  }
0x90: {  	s2 =	sld [smem:$0x3FD0];
	(tm) =	ssettm $0x1  }
0x91: {  	s18 =	sld [smem:$0x3FFB];
	_ =	sdelay $0x3  }
0x92: {  	_ =	strace s18  }
0x93: {  	s3 =	sld [smem:$0x3FFC];
	_ =	sdelay $0x3  }
0x94: {  	_ =	strace s3  }
0x95: {  	s3 =	sld [smem:$0x3FFD];
	_ =	sdelay $0x3  }
0x96: {  	_ =	strace s3  }
0x97: {  	_ =	strace $0x8FFFFFFF  }
0x98: {  	s19 =	sld [smem:$0x3FDB];
	_ =	sdelay $0x1  }
0x99: {  	s4 =	simm.s32 $_scs_section_size  }
0x9a: {  	s5 =	simm.s32 $_size__tile_overlayer_lowered;
	s6 =	simm.s32 $_tile_overlayer_lowered  }
0x9b: {  	s22 =	simm.s32 $0x1BFF;
	s21 =	sshll.u32 s6, $0x1;
	s3 =	sadd.s32 s4, s19  }
0x9c: {  	s7 =	simm.s32 $0x0;
	s20 =	sshll.u32 s5, $0x1;
	s5 =	sadd.s32 s21, s3  }
0x9d: {  	[timem:s7], [sflag:s22] =	dma.local [hbm:s5], s20  }
0x9e: {  	_ =	swait.ge [sflag:s22], s20  }
0x9f: {  	s4 =	ssub.s32 $0x0, s20;
	[sflag:s22] =	ssyncset.done $0x0  }
0xa0: {  	[sflag:s22] =	ssyncadd.s32 s4;
	_ =	sdelay $0x1  }
0xa1: {  	s23 =	simm.s32 $0x1B8B  }
0xa2: {  	_ =	swait.ge [sflag:s23], $0x1  }
0xa3: {  	[sflag:s23] =	ssyncset.done $0x0  }
0xa4: {  	s25 =	simm.s32 $0x1B8E;
	s24 =	sld [smem:$0x3FFE];
	[sflag:s23] =	ssyncadd.s32 $0xFFFFFFFF  }
0xa5: {  	s26 =	simm.s32 $execute0_lowered;
	[smem:$0x3FD2] =	sst s25  }
0xa6: {  	s5 =	sshll.u32 s26, $0x1;
	_ =	strace $0x8000004C;
	[dreg:$0x1] =	wrdreg $0xFFFFFFFF  }
0xa7: {  	s28 =	simm.s32 $_size_execute0_lowered;
	s3 =	sadd.s32 s3, s5;
	[dreg:$0x0] =	wrdreg $0x0  }
0xa8: {  	s5 =	sshll.u32 s28, $0x1;
	[dreg:$0x2] =	wrdreg s3  }
0xa9: {  	[dreg:$0x3] =	wrdreg s5  }
0xaa: {  	[dreg:$0x4] =	wrdreg $0xC0  }
0xab: {  	_ =	task [dreg:s7], $0x5FFFF  }
0xac: {  	[dreg:$0x1] =	wrdreg $0xFFFFFFFF  }
0xad: {  	[dreg:$0x0] =	wrdreg $0x60  }
0xae: {  	[dreg:$0x2] =	wrdreg s2  }
0xaf: {  	[dreg:$0x3] =	wrdreg s24  }
0xb0: {  	[dreg:$0x4] =	wrdreg $0x0  }
0xb1: {  	[dreg:$0x5] =	wrdreg $0x9  }
0xb2: {  	_ =	task.clear_ibuf [dreg:s7], $0x6FFFF;
	_ =	strace $0x9000004C  }
0xb3: {  	s29 =	simm.s32 $0x9;
	_ =	strace $0x8000004E  }
0xb4: {  	_ =	swait.ge [sflag:s29], $0x1  }
0xb5: {  	[sflag:s29] =	ssyncadd.s32 $0xFFFFFFFF  }
0xb6: {  	_ =	strace $0x9000004E  }
0xb7: {  	_ =	sfence  }
0xb8: {  	s30 =	sld [smem:$0x0];
	_ =	sdelay $0x2  }
0xb9: {  	s31 =	sshll.u32 s1, $0xD;
	s1 =	sshrl.u32 s1, $0x2  }
0xba: {  	s3 =	sand.u32 $0x4000, s31;
	s1 =	sadd.s32 s1, s30  }
0xbb: {  	s0 =	sor.u32 s3, s0;
	s1 =	sshll.u32 s1, $0x11  }
0xbc: {  	s0 =	sor.u32 s1, s0  }
0xbd: {  	s0 =	sadd.s32 $0x8F2B, s0  }
0xbe: {  	[sflag:s0] =	ssyncadd.remote.s32 $0x1  }
0xbf: {  	_ =	sfence.sel $0xFFFF  }
0xc0: {  	[dreg:$0x0] =	wrdreg $0xFFFFFFFF;
	(pc) =	sbr.abs _section_cstart, $3  }
0xc1: {  	[dreg:$0x1] =	wrdreg $0xFFFFFFFF  }
0xc2: {  	_ =	task.clear_ibuf [dreg:s7], $0x2FFFF;
	_ =	strace $0x9FFFFFFF  }
0xc3: {  	(tm) =	ssettm $0x7FFFFFFF  }
tec
execute0_lowered:
.L_overlay_start_1:
0x0: {  	(tag) =	ssettag $0x1  }
0x1: {  	s1 =	rddreg [dreg:$0x0]  }
0x2: {  	s2 =	srdreg.scid;
	s5 =	rddreg [dreg:$0x1]  }
0x3: {  	s0 =	stileid.u32;
	s3 =	rddreg [dreg:$0x2];
	s4 =	simm.s32 $0x0  }
0x4: {  	s14 =	simm.s32 $0x14000;
	s15 =	simm.s32 $0x2;
	s16 =	simm.s32 $0x18000  }
0x5: {  	s17 =	simm.s32 $0x18080;
	s18 =	simm.s32 $0x80;
	s7 =	smul.u32 $0x2800, s0  }
0x6: {  	s19 =	simm.s32 $0x1;
	s22 =	simm.s32 $0x0;
	s28 =	smul.u32 $0x500, s0  }
0x7: {  	s6 =	sand.u32 $0x1, s2;
	s2 =	rddreg [dreg:$0x3];
	s10 =	smul.u32 $0x50000, s0  }
0x8: {  	[smem:$0x7FF] =	sst s4;
	s20 =	sshll.u32 s0, $0x6;
	s8 =	smul.u32 $0x28000, s6  }
0x9: {  	_ =	strace $0x8000004D;
	s6 =	ssub.s32 $0x2, s6;
	s20 =	sor.u32 $0x1C02, s20  }
0xa: {  	s13 =	sadd.s32 s28, s5;
	s29 =	sshrl.u32 s6, $0x1;
	s30 =	sshrl.u32 s10, $0x2  }
0xb: {  	s7 =	sadd.s32 s7, s8;
	s11 =	ssub.s32 s6, s29;
	s13 =	sadd.s32 $0x3600, s13  }
0xc: {  	s9 =	sshrl.u32 s7, $0x3;
	s31 =	sadd.s32 s7, s5;
	s11 =	smax.u32 s11, $0x1  }
0xd: {  	s12 =	sadd.s32 s9, s5;
	s5 =	sadd.s32 s30, s3;
	s10 =	sadd.s32 $0x62600, s31  }
0xe: {  	s6 =	sadd.s32 $0x4000, s5;
	s7 =	sadd.s32 $0x8000, s5;
	s8 =	sadd.s32 $0xC000, s5  }
0xf: {  	v0 =	vimm.f32 $0.0e+00;
	s9 =	sadd.s32 $0x10000, s5;
	s12 =	sadd.s32 $0x58600, s12;
	s21 =	sshrl.u32 s5, $0x3  }
.LBB2_1:
0x10: {  	s23 =	simm.s32 $0x0;
	s24 =	simm.s32 $0x200  }
.LBB2_2:
0x11: {  	p0 =	sne.s32 s24, $0xFE00;
	[tilespmem:s23+$0x14070] =	vst v0  }
0x12: {  	[tilespmem:s23+$0x14000] =	vst v0  }
0x13: {  	[tilespmem:s23+$0x14010] =	vst v0  }
.Ltmp0:
0x14: {  	[tilespmem:s23+$0x14020] =	vst v0;
	(pc) =	sbr.rel @p0 .LBB2_2-.Ltmp0, $4  }
0x15: {  	[tilespmem:s23+$0x14030] =	vst v0  }
0x16: {  	[tilespmem:s23+$0x14040] =	vst v0  }
0x17: {  	[tilespmem:s23+$0x14050] =	vst v0  }
0x18: {  	[tilespmem:s23+$0x14060] =	vst v0;
	s23 =	sshra.s32 s24, $0x2;
	s24 =	sadd.s32 $0x200, s24  }
0x19: {  	[tilespmem:s23+$0x14070] =	vst v0  }
0x1a: {  	[tilespmem:s23+$0x14000] =	vst v0  }
0x1b: {  	[tilespmem:s23+$0x14010] =	vst v0  }
0x1c: {  	[tilespmem:s23+$0x14020] =	vst v0  }
0x1d: {  	[tilespmem:s23+$0x14030] =	vst v0  }
0x1e: {  	[tilespmem:s23+$0x14040] =	vst v0  }
0x1f: {  	[tilespmem:s23+$0x14050] =	vst v0  }
0x20: {  	[tilespmem:s23+$0x14060] =	vst v0  }
0x21: {  	[spmem:s5] =	stream.linear.scatter [tilespmem:s14], [sflag:$0x2], $0x4000, $0x38;
	[tilespmem:$0x18100] =	vst v63  }
0x22: {  	_ =	swait.ge [sflag:s15], $0x4000  }
0x23: {  	[sflag:s15] =	ssyncset.done $0x0  }
0x24: {  	[sflag:s15] =	ssyncadd.s32 $0xFFFFC000  }
0x25: {  	[spmem:s6] =	stream.linear.scatter [tilespmem:s14], [sflag:$0x2], $0x4000, $0x38;
	[tilespmem:$0x18100] =	vst v63  }
0x26: {  	_ =	swait.ge [sflag:s15], $0x4000  }
0x27: {  	[sflag:s15] =	ssyncset.done $0x0  }
0x28: {  	[sflag:s15] =	ssyncadd.s32 $0xFFFFC000  }
0x29: {  	[spmem:s7] =	stream.linear.scatter [tilespmem:s14], [sflag:$0x2], $0x4000, $0x38;
	[tilespmem:$0x18100] =	vst v63  }
0x2a: {  	_ =	swait.ge [sflag:s15], $0x4000  }
0x2b: {  	[sflag:s15] =	ssyncset.done $0x0  }
0x2c: {  	[sflag:s15] =	ssyncadd.s32 $0xFFFFC000  }
0x2d: {  	[spmem:s8] =	stream.linear.scatter [tilespmem:s14], [sflag:$0x2], $0x4000, $0x38;
	[tilespmem:$0x18100] =	vst v63  }
0x2e: {  	_ =	swait.ge [sflag:s15], $0x4000  }
0x2f: {  	[sflag:s15] =	ssyncset.done $0x0  }
0x30: {  	[sflag:s15] =	ssyncadd.s32 $0xFFFFC000  }
0x31: {  	[spmem:s9] =	stream.linear.scatter [tilespmem:s14], [sflag:$0x2], $0x4000, $0x38;
	[tilespmem:$0x18100] =	vst v63  }
0x32: {  	_ =	swait.ge [sflag:s15], $0x4000  }
0x33: {  	[sflag:s15] =	ssyncset.done $0x0  }
0x34: {  	[sflag:s15] =	ssyncadd.s32 $0xFFFFC000  }
0x35: {  	s30 =	sadd.s32 $0x0, s12;
	[bflag:$0x0] =	sbarrier.arrive $0xFFFF  }
0x36: {  	[tilespmem:s16], [sflag:$0x2] =	stream.linear.gather [hbm4b:s30+s4], $0x80, $0x38;
	[tilespmem:$0x18100] =	vst v63  }
0x37: {  	_ =	swait.ge [sflag:s15], $0x80  }
0x38: {  	[sflag:s15] =	ssyncset.done $0x0  }
0x39: {  	s31 =	sadd.s32 $0x0, s13;
	[sflag:s15] =	ssyncadd.s32 $0xFFFFFF80  }
0x3a: {  	[tilespmem:s17], [sflag:$0x2] =	stream.linear.gather [hbm4b:s31+s4], $0x80, $0x38;
	[tilespmem:$0x18100] =	vst v63  }
0x3b: {  	_ =	swait.ge [sflag:s15], $0x80  }
0x3c: {  	[sflag:s15] =	ssyncset.done $0x0  }
0x3d: {  	[sflag:s15] =	ssyncadd.s32 $0xFFFFFF80  }
0x3e: {  	[tilespmem:s14], [sflag:$0x1] =	stream.indirect.gather [hbm4b:s1+s18], $0x80, s16, s18, $0xb8;
	[tilespmem:$0x18100] =	vst v63  }
0x3f: {  	_ =	swait.ge [sflag:s19], $0x4000  }
0x40: {  	[sflag:s19] =	ssyncset.done $0x0  }
0x41: {  	[sflag:s19] =	ssyncadd.s32 $0xFFFFC000  }
0x42: {  	[spmem:s3] =	stream.indirect.scatter.add.f32 [tilespmem:s14], [sflag:$0x2], $0x80, s17, s18, $0xb8;
	[tilespmem:$0x18100] =	vst v63  }
0x43: {  	_ =	swait.ge [sflag:s15], $0x4000  }
0x44: {  	s23 =	simm.s32 $0x10;
	s24 =	simm.s32 $0x20;
	[sflag:s15] =	ssyncset.done $0x0  }
.LBB2_4:
0x45: {  	s25 =	sadd.s32 s23, s12  }
0x46: {  	[sflag:s15] =	ssyncadd.s32 $0xFFFFC000;
	s26 =	smov.u32 s24;
	s28 =	sadd.s32 $0x10, s24  }
0x47: {  	[tilespmem:s16], [sflag:$0x2] =	stream.linear.gather [hbm4b:s25+s4], $0x80, $0x38;
	[tilespmem:$0x18100] =	vst v63  }
0x48: {  	p0 =	sne.s32 s24, $0x4F0;
	_ =	swait.ge [sflag:s15], $0x80  }
0x49: {  	[sflag:s15] =	ssyncset.done $0x0  }
0x4a: {  	s24 =	sadd.s32 s23, s13;
	s23 =	smov.u32 s26;
	[sflag:s15] =	ssyncadd.s32 $0xFFFFFF80  }
0x4b: {  	[tilespmem:s17], [sflag:$0x2] =	stream.linear.gather [hbm4b:s24+s4], $0x80, $0x38;
	[tilespmem:$0x18100] =	vst v63  }
0x4c: {  	_ =	swait.ge [sflag:s15], $0x80  }
0x4d: {  	[sflag:s15] =	ssyncset.done $0x0  }
0x4e: {  	[sflag:s15] =	ssyncadd.s32 $0xFFFFFF80  }
0x4f: {  	[tilespmem:s14], [sflag:$0x1] =	stream.indirect.gather [hbm4b:s1+s18], $0x80, s16, s18, $0xb8;
	[tilespmem:$0x18100] =	vst v63  }
0x50: {  	_ =	swait.ge [sflag:s19], $0x4000  }
.Ltmp1:
0x51: {  	[sflag:s19] =	ssyncset.done $0x0;
	(pc) =	sbr.rel @p0 .LBB2_4-.Ltmp1, $4  }
0x52: {  	[sflag:s19] =	ssyncadd.s32 $0xFFFFC000  }
0x53: {  	[spmem:s3] =	stream.indirect.scatter.add.f32 [tilespmem:s14], [sflag:$0x2], $0x80, s17, s18, $0xb8;
	[tilespmem:$0x18100] =	vst v63  }
0x54: {  	_ =	swait.ge [sflag:s15], $0x4000  }
0x55: {  	s24 =	smov.u32 s28;
	[sflag:s15] =	ssyncset.done $0x0  }
0x56: {  	s24 =	sadd.s32 s23, s12;
	[sflag:s15] =	ssyncadd.s32 $0xFFFFC000  }
0x57: {  	[tilespmem:s16], [sflag:$0x2] =	stream.linear.gather [hbm4b:s24+s4], $0x80, $0x38;
	[tilespmem:$0x18100] =	vst v63  }
0x58: {  	_ =	swait.ge [sflag:s15], $0x80  }
0x59: {  	[sflag:s15] =	ssyncset.done $0x0  }
0x5a: {  	s31 =	sadd.s32 s23, s13;
	[sflag:s15] =	ssyncadd.s32 $0xFFFFFF80  }
0x5b: {  	[tilespmem:s17], [sflag:$0x2] =	stream.linear.gather [hbm4b:s31+s4], $0x80, $0x38;
	[tilespmem:$0x18100] =	vst v63  }
0x5c: {  	_ =	swait.ge [sflag:s15], $0x80  }
0x5d: {  	[sflag:s15] =	ssyncset.done $0x0  }
0x5e: {  	[sflag:s15] =	ssyncadd.s32 $0xFFFFFF80  }
0x5f: {  	[tilespmem:s14], [sflag:$0x1] =	stream.indirect.gather [hbm4b:s1+s18], $0x80, s16, s18, $0xb8;
	[tilespmem:$0x18100] =	vst v63  }
0x60: {  	_ =	swait.ge [sflag:s19], $0x4000  }
0x61: {  	[sflag:s19] =	ssyncset.done $0x0  }
0x62: {  	[sflag:s19] =	ssyncadd.s32 $0xFFFFC000  }
0x63: {  	[spmem:s3] =	stream.indirect.scatter.add.f32 [tilespmem:s14], [sflag:$0x2], $0x80, s17, s18, $0xb8;
	[tilespmem:$0x18100] =	vst v63  }
0x64: {  	_ =	swait.ge [sflag:s15], $0x4000  }
0x65: {  	s22 =	sadd.s32 $0x1, s22;
	[sflag:s15] =	ssyncset.done $0x0  }
0x66: {  	p0 =	sne.s32 s22, s11;
	[sflag:s15] =	ssyncadd.s32 $0xFFFFC000  }
.Ltmp2:
0x67: {  	[bflag:$0x0] =	sbarrier.arrive $0xFFFF;
	(pc) =	sbr.rel @p0 .LBB2_1-.Ltmp2, $4  }
0x68: {  	[hbm:s10], [sflag:s20] =	dma.local [spmem:s21], $0x2800  }
0x69: {  	_ =	swait.ge [sflag:s15], $0x2800  }
0x6a: {  	[sflag:s15] =	ssyncset.done $0x0  }
0x6b: {  	[sflag:s15] =	ssyncadd.s32 $0xFFFFD800  }
0x6c: {  	_ =	sfence.sel $0x180000  }
0x6d: {  	[bflag:$0x0] =	sbarrier.arrive $0xFFFF  }
0x6e: {  	p0 =	sne.s32 s0, $0x0;
	_ =	strace $0x9000004D  }
0x6f: {  	s0 =	sadd.s32 @!p0 $0x100000, s2;
	[bflag:$0x2] =	sbarrier.arrive $0xFFFF  }
0x70: {  	[sflag:s0] =	ssyncadd.tile.s32 @!p0 $0x1;
	_ =	shalt  }
.Lfunc_end2:
_tile_overlayer_lowered:
.L_overlay_start_2:
0x71: {  	(tag) =	ssettag $0x2  }
0x72: {  	s0 =	rddreg [dreg:$0x0];
	s2 =	stileid.u32  }
0x73: {  	s1 =	rddreg [dreg:$0x1];
	p0 =	sne.s32 s2, $0x0  }
0x74: {  	s3 =	rddreg [dreg:$0x2];
	[bflag:$0x3] =	sbarrier.arrive $0xFFFF;
	s2 =	simm.s32 @!p0 $0x1C02  }
0x75: {  	[timem:s3], [sflag:s2] =	dma.local @!p0 [hbm:s0], s1  }
0x76: {  	s0 =	simm.s32 @!p0 $0x2  }
0x77: {  	_ =	swait.ge @!p0 [sflag:s0], s1  }
0x78: {  	s1 =	ssub.s32 @!p0 $0x0, s1;
	[sflag:s0] =	ssyncset.done @!p0 $0x0  }
0x79: {  	[sflag:s0] =	ssyncadd.s32 @!p0 s1  }
0x7a: {  	[bflag:$0x3] =	sbarrier.arrive $0xFFFF  }
0x7b: {  	_ =	shalt  }

// kernel: kernel.8.cloned.1.call-start
scs
__scs_entry_jumppad:
0x0: {  	(pc) =	sbr.rel $0x88, $3  }
0x1: {  	(tag) =	ssettag $0x0;
	lr =	simm.s32 $0x1  }
0x2: {  	[smem:$0x3F9B] =	sst lr;
	_ =	strace $0xD0000000  }
0x3: {  	_ = 	snop  }
0x4: {  	_ = 	snop  }
0x5: {  	_ = 	snop  }
0x6: {  	_ = 	snop  }
0x7: {  	_ = 	snop  }
__scs_overlays_trampoline_lowered:
0x8: {  	[smem:$0x3FAA] =	sst s0  }
0x9: {  	[smem:$0x3FAB] =	sst s1  }
0xa: {  	[smem:$0x3FAC] =	sst s2  }
0xb: {  	[smem:$0x3FAD] =	sst s3  }
0xc: {  	[smem:$0x3FAE] =	sst s4  }
0xd: {  	[smem:$0x3FAF] =	sst s5  }
0xe: {  	[smem:$0x3FB0] =	sst s6  }
0xf: {  	[smem:$0x3FB1] =	sst s7  }
0x10: {  	[smem:$0x3FB2] =	sst s8  }
0x11: {  	[smem:$0x3FB3] =	sst s9;
	s0 =	simm.s32 @!p0 $0x0  }
0x12: {  	s1 =	sld [smem:$0x3F99];
	s0 =	simm.s32 @p0 $0x1  }
0x13: {  	[smem:$0x3FB4] =	sst s0;
	s0 =	simm.s32 @!p1 $0x0  }
0x14: {  	s2 =	sld [smem:$0x3F98];
	s0 =	simm.s32 @p1 $0x1  }
0x15: {  	[smem:$0x3FB5] =	sst s0;
	s0 =	simm.s32 @!p2 $0x0  }
0x16: {  	s3 =	sld [smem:$0x3FDB];
	s0 =	simm.s32 @p2 $0x1  }
0x17: {  	s4 =	simm.s32 $0x1BF5;
	[smem:$0x3FB7] =	sst s0  }
0x18: {  	s0 =	sld [smem:$0x3F9A];
	_ =	swait.ge [sflag:s4], $0x0  }
0x19: {  	s7 =	sld [smem:$0x3F9B]  }
0x1a: {  	s8 =	sadd.s32 $0xFFFFE003, lr  }
0x1b: {  	s9 =	sadd.s32 $0xFFFFFEF7, lr;
	s5 =	simm.s32 $0xFFFFFFFF;
	p2 =	slt.u32 s8, $0xFFFFF086  }
0x1c: {  	p1 =	slt.u32 s9, $0xF7A;
	s5 =	simm.s32 @!p2 $0x0  }
0x1d: {  	s5 =	simm.s32 @p1 $0x1;
	p0 =	seq.s32 s7, s2  }
0x1e: {  	s7 =	smul.u32 @!p0 $0xF7A, s2;
	p2 =	seq.s32 @!p0 s5, $0x0  }
0x1f: {  	s9 =	smul.u32 $0xF7A, s1;
	s8 =	simm.s32 @!p0 $0x1BF5;
	p2 =	por !p2, p0  }
0x20: {  	[sflag:s8] =	ssyncset.s32 @!p0 $0xFFFFF086;
	s6 =	sadd.s32 @!p0 s3, s7;
	s7 =	simm.s32 @!p0 $0x108  }
0x21: {  	s3 =	sadd.s32 s3, s9;
	s6 =	sadd.s32 @!p0 $0x88, s6;
	s7 =	simm.s32 @p2 $0x1082  }
0x22: {  	[simem:s7], [sflag:s8] =	dma.local @!p0 [hbm:s6], $0xF7A  }
0x23: {  	s9 =	sor.u32 $0xD0000000, s2;
	s6 =	simm.s32 $0x108;
	_ =	swait.ge @!p0 [sflag:s8], $0x0  }
0x24: {  	s3 =	sadd.s32 $0x88, s3;
	s6 =	simm.s32 @!p1 $0x1082;
	[sflag:s4] =	ssyncset.s32 $0xFFFFF086  }
0x25: {  	[simem:s6], [sflag:s4] =	dma.local [hbm:s3], $0xF7A  }
0x26: {  	[smem:$0x3F9B] =	sst s1;
	(tag) =	ssettag s2;
	_ =	strace s9  }
0x27: {  	s1 =	sld [smem:$0x3FAB]  }
0x28: {  	s2 =	sld [smem:$0x3FAC]  }
0x29: {  	s4 =	sld [smem:$0x3FAE]  }
0x2a: {  	p0 =	seq.s32 s5, $0x0;
	s5 =	sld [smem:$0x3FAF]  }
0x2b: {  	s6 =	sld [smem:$0x3FB0]  }
0x2c: {  	s7 =	sld [smem:$0x3FB1]  }
0x2d: {  	s3 =	simm.s32 $0x108;
	s8 =	sld [smem:$0x3FB2]  }
0x2e: {  	s3 =	simm.s32 @!p0 $0x1082;
	s9 =	sld [smem:$0x3FB3]  }
0x2f: {  	lr =	sadd.s32 s0, s3;
	s0 =	sld [smem:$0x3FAA]  }
0x30: {  	s3 =	sld [smem:$0x3FAD]  }
0x31: {  	[smem:$0x3FB6] =	sst s10  }
0x32: {  	s10 =	sld [smem:$0x3FB4];
	_ =	sdelay $0x3  }
0x33: {  	p0 =	seq.s32 s10, $0x1;
	s10 =	sld [smem:$0x3FB6];
	_ =	sdelay $0x3  }
0x34: {  	[smem:$0x3FB6] =	sst s10  }
0x35: {  	s10 =	sld [smem:$0x3FB5];
	_ =	sdelay $0x3  }
0x36: {  	p1 =	seq.s32 s10, $0x1;
	s10 =	sld [smem:$0x3FB6];
	_ =	sdelay $0x3  }
0x37: {  	[smem:$0x3FB6] =	sst s10  }
0x38: {  	s10 =	sld [smem:$0x3FB7]  }
0x39: {  	_ = 	snop;
	(pc) =	sbr.ind lr, $3  }
0x3a: {  	_ = 	snop  }
0x3b: {  	_ = 	snop  }
0x3c: {  	p2 =	seq.s32 s10, $0x1;
	s10 =	sld [smem:$0x3FB6]  }
0x3d: {  	_ =	shalt  }
0x3e: {  	_ =	shalt  }
0x3f: {  	_ =	shalt  }
0x40: {  	_ =	shalt  }
0x41: {  	_ =	shalt  }
0x42: {  	_ =	shalt  }
0x43: {  	_ =	shalt  }
0x44: {  	_ =	shalt  }
0x45: {  	_ =	shalt  }
0x46: {  	_ =	shalt  }
0x47: {  	_ =	shalt  }
0x48: {  	_ =	shalt  }
0x49: {  	_ =	shalt  }
0x4a: {  	_ =	shalt  }
0x4b: {  	_ =	shalt  }
0x4c: {  	_ =	shalt  }
0x4d: {  	_ =	shalt  }
0x4e: {  	_ =	shalt  }
0x4f: {  	_ =	shalt  }
0x50: {  	_ =	shalt  }
0x51: {  	_ =	shalt  }
0x52: {  	_ =	shalt  }
0x53: {  	_ =	shalt  }
0x54: {  	_ =	shalt  }
0x55: {  	_ =	shalt  }
0x56: {  	_ =	shalt  }
0x57: {  	_ =	shalt  }
0x58: {  	_ =	shalt  }
0x59: {  	_ =	shalt  }
0x5a: {  	_ =	shalt  }
0x5b: {  	_ =	shalt  }
0x5c: {  	_ =	shalt  }
0x5d: {  	_ =	shalt  }
0x5e: {  	_ =	shalt  }
0x5f: {  	_ =	shalt  }
0x60: {  	_ =	shalt  }
0x61: {  	_ =	shalt  }
0x62: {  	_ =	shalt  }
0x63: {  	_ =	shalt  }
0x64: {  	_ =	shalt  }
0x65: {  	_ =	shalt  }
0x66: {  	_ =	shalt  }
0x67: {  	_ =	shalt  }
0x68: {  	_ =	shalt  }
0x69: {  	_ =	shalt  }
0x6a: {  	_ =	shalt  }
0x6b: {  	_ =	shalt  }
0x6c: {  	_ =	shalt  }
0x6d: {  	_ =	shalt  }
0x6e: {  	_ =	shalt  }
0x6f: {  	_ =	shalt  }
0x70: {  	_ =	shalt  }
0x71: {  	_ =	shalt  }
0x72: {  	_ =	shalt  }
0x73: {  	_ =	shalt  }
0x74: {  	_ =	shalt  }
0x75: {  	_ =	shalt  }
0x76: {  	_ =	shalt  }
0x77: {  	_ =	shalt  }
0x78: {  	_ =	shalt  }
0x79: {  	_ =	shalt  }
0x7a: {  	_ =	shalt  }
0x7b: {  	_ =	shalt  }
0x7c: {  	_ =	shalt  }
0x7d: {  	_ =	shalt  }
0x7e: {  	_ =	shalt  }
0x7f: {  	_ =	shalt  }
0x80: {  	_ =	shalt  }
0x81: {  	_ =	shalt  }
0x82: {  	_ =	shalt  }
0x83: {  	_ =	shalt  }
0x84: {  	_ =	shalt  }
0x85: {  	_ =	shalt  }
0x86: {  	_ =	shalt  }
0x87: {  	_ =	shalt  }
.Lfunc_end0:
.L_simem_size_0:
called_computation_lowered:
.L_overlay_start_0:
0x88: {  	s2 =	sld [smem:$0x3FD9]  }
0x89: {  	s3 =	sld [smem:$0x3FFE];
	_ =	sdelay $0x1  }
0x8a: {  	s1 =	srdreg.scid  }
0x8b: {  	s0 =	sand.u32 $0x1, s1  }
0x8c: {  	s16 =	sshll.u32 s0, $0xA;
	s2 =	sadd.s32 s3, s2  }
0x8d: {  	s2 =	sadd.s32 s2, s16  }
0x8e: {  	[smem:$0x3FC2] =	sst s2  }
0x8f: {  	_ = 	snop  }
0x90: {  	(tm) =	ssettm $0x1  }
0x91: {  	s17 =	sld [smem:$0x3FFB];
	_ =	sdelay $0x3  }
0x92: {  	_ =	strace s17  }
0x93: {  	s2 =	sld [smem:$0x3FFC];
	_ =	sdelay $0x3  }
0x94: {  	_ =	strace s2  }
0x95: {  	s2 =	sld [smem:$0x3FFD];
	_ =	sdelay $0x3  }
0x96: {  	_ =	strace s2  }
0x97: {  	_ =	strace $0x8FFFFFFF  }
0x98: {  	s18 =	sld [smem:$0x3FDB];
	_ =	sdelay $0x1  }
0x99: {  	s19 =	simm.s32 $_scs_section_size  }
0x9a: {  	s4 =	simm.s32 $_size__tile_overlayer_lowered;
	s5 =	simm.s32 $_tile_overlayer_lowered  }
0x9b: {  	s22 =	simm.s32 $0x1BFF;
	s21 =	sshll.u32 s5, $0x1;
	s2 =	sadd.s32 s19, s18  }
0x9c: {  	s6 =	simm.s32 $0x0;
	s20 =	sshll.u32 s4, $0x1;
	s4 =	sadd.s32 s21, s2  }
0x9d: {  	[timem:s6], [sflag:s22] =	dma.local [hbm:s4], s20  }
0x9e: {  	_ =	swait.ge [sflag:s22], s20  }
0x9f: {  	s3 =	ssub.s32 $0x0, s20;
	[sflag:s22] =	ssyncset.done $0x0  }
0xa0: {  	[sflag:s22] =	ssyncadd.s32 s3;
	_ =	sdelay $0x1  }
0xa1: {  	s23 =	simm.s32 $0x1B8B  }
0xa2: {  	_ =	swait.ge [sflag:s23], $0x1  }
0xa3: {  	[sflag:s23] =	ssyncset.done $0x0  }
0xa4: {  	s25 =	simm.s32 $0x1B8E;
	s24 =	sld [smem:$0x3FFE];
	[sflag:s23] =	ssyncadd.s32 $0xFFFFFFFF  }
0xa5: {  	s26 =	simm.s32 $execute0_lowered;
	[smem:$0x3FD2] =	sst s25  }
0xa6: {  	s4 =	sshll.u32 s26, $0x1;
	_ =	strace $0x80000046;
	[dreg:$0x1] =	wrdreg $0xFFFFFFFF  }
0xa7: {  	s28 =	simm.s32 $_size_execute0_lowered;
	s2 =	sadd.s32 s2, s4;
	[dreg:$0x0] =	wrdreg $0x0  }
0xa8: {  	s4 =	sshll.u32 s28, $0x1;
	[dreg:$0x2] =	wrdreg s2  }
0xa9: {  	[dreg:$0x3] =	wrdreg s4  }
0xaa: {  	[dreg:$0x4] =	wrdreg $0xC0  }
0xab: {  	_ =	task [dreg:s6], $0x5FFFF  }
0xac: {  	[dreg:$0x1] =	wrdreg $0xFFFFFFFF  }
0xad: {  	[dreg:$0x0] =	wrdreg $0x60  }
0xae: {  	[dreg:$0x2] =	wrdreg s24  }
0xaf: {  	[dreg:$0x3] =	wrdreg $0x0  }
0xb0: {  	[dreg:$0x4] =	wrdreg $0x9  }
0xb1: {  	_ =	task.clear_ibuf [dreg:s6], $0x5FFFF;
	_ =	strace $0x90000046  }
0xb2: {  	s29 =	simm.s32 $0x9;
	_ =	strace $0x80000048  }
0xb3: {  	_ =	swait.ge [sflag:s29], $0x1  }
0xb4: {  	[sflag:s29] =	ssyncadd.s32 $0xFFFFFFFF  }
0xb5: {  	_ =	strace $0x90000048  }
0xb6: {  	_ =	sfence  }
0xb7: {  	s30 =	sld [smem:$0x0];
	_ =	sdelay $0x2  }
0xb8: {  	s31 =	sshll.u32 s1, $0xD;
	s1 =	sshrl.u32 s1, $0x2  }
0xb9: {  	s3 =	sand.u32 $0x4000, s31;
	s1 =	sadd.s32 s1, s30  }
0xba: {  	s0 =	sor.u32 s3, s0;
	s1 =	sshll.u32 s1, $0x11  }
0xbb: {  	s0 =	sor.u32 s1, s0  }
0xbc: {  	s0 =	sadd.s32 $0x8F2B, s0  }
0xbd: {  	[sflag:s0] =	ssyncadd.remote.s32 $0x1  }
0xbe: {  	_ =	sfence.sel $0xFFFF  }
0xbf: {  	[dreg:$0x0] =	wrdreg $0xFFFFFFFF;
	(pc) =	sbr.abs _section_cstart, $3  }
0xc0: {  	[dreg:$0x1] =	wrdreg $0xFFFFFFFF  }
0xc1: {  	_ =	task.clear_ibuf [dreg:s6], $0x2FFFF;
	_ =	strace $0x9FFFFFFF  }
0xc2: {  	(tm) =	ssettm $0x7FFFFFFF  }
0xc3: {  	_ =	shalt  }
tec
execute0_lowered:
.L_overlay_start_1:
0x0: {  	(tag) =	ssettag $0x1  }
0x1: {  	s4 =	rddreg [dreg:$0x0]  }
0x2: {  	s0 =	srdreg.scid;
	s2 =	rddreg [dreg:$0x1]  }
0x3: {  	s1 =	rddreg [dreg:$0x2];
	s3 =	simm.s32 $0x0;
	s5 =	sand.u32 $0x1, s0  }
0x4: {  	s14 =	simm.s32 $0xA800;
	s0 =	stileid.u32;
	s6 =	smul.u32 $0x2800, s5  }
0x5: {  	s15 =	simm.s32 $0x80;
	s16 =	simm.s32 $0x2800;
	s7 =	smul.u32 $0x2800, s0  }
0x6: {  	s19 =	simm.s32 $0x0;
	[smem:$0x7FF] =	sst s3;
	s8 =	smul.u32 $0x28000, s5  }
0x7: {  	s9 =	smul.u32 $0x50000, s0;
	_ =	strace $0x80000047;
	s5 =	ssub.s32 $0x2, s5  }
0x8: {  	s31 =	smul.u32 $0x280, s0;
	s17 =	sshll.u32 s0, $0x6;
	s30 =	sshrl.u32 s5, $0x1  }
0x9: {  	s17 =	sor.u32 $0x1C01, s17;
	s10 =	sadd.s32 s6, s4;
	s28 =	sadd.s32 s7, s8  }
0xa: {  	s29 =	sshrl.u32 s9, $0x2;
	s12 =	ssub.s32 s5, s30;
	s11 =	sadd.s32 s28, s4  }
0xb: {  	s4 =	sadd.s32 s29, s2;
	s13 =	sadd.s32 s31, s10;
	s10 =	smax.u32 s12, $0x1  }
0xc: {  	s12 =	simm.s32 $0x6800;
	s5 =	sadd.s32 $0x4000, s4;
	s6 =	sadd.s32 $0x8000, s4  }
0xd: {  	s7 =	sadd.s32 $0xC000, s4;
	s8 =	sadd.s32 $0x10000, s4;
	s9 =	sadd.s32 $0x8600, s11  }
0xe: {  	v0 =	vimm.f32 $1.000000000e+00;
	v1 =	vimm.f32 $0.0e+00;
	s11 =	sadd.s32 $0x3600, s13;
	s13 =	simm.s32 $0x1;
	s18 =	sshrl.u32 s4, $0x3  }
.LBB2_1:
0xf: {  	s20 =	simm.s32 $0x200;
	s21 =	simm.s32 $0x0  }
.LBB2_2:
0x10: {  	p0 =	sne.s32 s20, $0xFE00;
	[tilespmem:s21+$0x2800] =	vst v0;
	s22 =	smov.u32 s20;
	s20 =	sadd.s32 $0x200, s20  }
.Ltmp0:
0x11: {  	[tilespmem:s21+$0x6800] =	vst v1;
	(pc) =	sbr.rel @p0 .LBB2_2-.Ltmp0, $2  }
0x12: {  	_ =	sdelay $0x2  }
0x13: {  	s21 =	sshra.s32 s22, $0x2  }
0x14: {  	[tilespmem:s21+$0x2800] =	vst v0  }
0x15: {  	[tilespmem:s21+$0x6800] =	vst v1  }
0x16: {  	[spmem:s4] =	stream.linear.scatter [tilespmem:s12], [sflag:$0x1], $0x4000, $0x38;
	[tilespmem:$0xA880] =	vst v63  }
0x17: {  	_ =	swait.ge [sflag:s13], $0x4000  }
0x18: {  	[sflag:s13] =	ssyncset.done $0x0  }
0x19: {  	[sflag:s13] =	ssyncadd.s32 $0xFFFFC000  }
0x1a: {  	[spmem:s5] =	stream.linear.scatter [tilespmem:s12], [sflag:$0x1], $0x4000, $0x38;
	[tilespmem:$0xA880] =	vst v63  }
0x1b: {  	_ =	swait.ge [sflag:s13], $0x4000  }
0x1c: {  	[sflag:s13] =	ssyncset.done $0x0  }
0x1d: {  	[sflag:s13] =	ssyncadd.s32 $0xFFFFC000  }
0x1e: {  	[spmem:s6] =	stream.linear.scatter [tilespmem:s12], [sflag:$0x1], $0x4000, $0x38;
	[tilespmem:$0xA880] =	vst v63  }
0x1f: {  	_ =	swait.ge [sflag:s13], $0x4000  }
0x20: {  	[sflag:s13] =	ssyncset.done $0x0  }
0x21: {  	[sflag:s13] =	ssyncadd.s32 $0xFFFFC000  }
0x22: {  	[spmem:s7] =	stream.linear.scatter [tilespmem:s12], [sflag:$0x1], $0x4000, $0x38;
	[tilespmem:$0xA880] =	vst v63  }
0x23: {  	_ =	swait.ge [sflag:s13], $0x4000  }
0x24: {  	[sflag:s13] =	ssyncset.done $0x0  }
0x25: {  	[sflag:s13] =	ssyncadd.s32 $0xFFFFC000  }
0x26: {  	[spmem:s8] =	stream.linear.scatter [tilespmem:s12], [sflag:$0x1], $0x4000, $0x38;
	[tilespmem:$0xA880] =	vst v63  }
0x27: {  	_ =	swait.ge [sflag:s13], $0x4000  }
0x28: {  	[sflag:s13] =	ssyncset.done $0x0  }
0x29: {  	[sflag:s13] =	ssyncadd.s32 $0xFFFFC000  }
0x2a: {  	s20 =	sadd.s32 $0x0, s11;
	[bflag:$0x0] =	sbarrier.arrive $0xFFFF  }
0x2b: {  	[tilespmem:s14], [sflag:$0x1] =	stream.linear.gather [hbm4b:s20+s3], $0x80, $0x38;
	[tilespmem:$0xA880] =	vst v63  }
0x2c: {  	_ =	swait.ge [sflag:s13], $0x80  }
0x2d: {  	[sflag:s13] =	ssyncset.done $0x0  }
0x2e: {  	[sflag:s13] =	ssyncadd.s32 $0xFFFFFF80  }
0x2f: {  	[spmem:s2] =	stream.indirect.scatter.add.f32 [tilespmem:s16], [sflag:$0x1], $0x10, s14, s15, $0xb8;
	[tilespmem:$0xA880] =	vst v63  }
0x30: {  	_ =	swait.ge [sflag:s13], $0x800  }
0x31: {  	s21 =	simm.s32 $0x20;
	s20 =	simm.s32 $0x10;
	[sflag:s13] =	ssyncset.done $0x0  }
.LBB2_4:
0x32: {  	s22 =	sadd.s32 s20, s11  }
0x33: {  	[sflag:s13] =	ssyncadd.s32 $0xFFFFF800;
	s20 =	smov.u32 s21;
	s23 =	sadd.s32 $0x10, s21  }
0x34: {  	[tilespmem:s14], [sflag:$0x1] =	stream.linear.gather [hbm4b:s22+s3], $0x80, $0x38;
	[tilespmem:$0xA880] =	vst v63  }
0x35: {  	p0 =	sne.s32 s21, $0x270;
	_ =	swait.ge [sflag:s13], $0x80  }
.Ltmp1:
0x36: {  	[sflag:s13] =	ssyncset.done $0x0;
	(pc) =	sbr.rel @p0 .LBB2_4-.Ltmp1, $4  }
0x37: {  	[sflag:s13] =	ssyncadd.s32 $0xFFFFFF80  }
0x38: {  	[spmem:s2] =	stream.indirect.scatter.add.f32 [tilespmem:s16], [sflag:$0x1], $0x10, s14, s15, $0xb8;
	[tilespmem:$0xA880] =	vst v63  }
0x39: {  	_ =	swait.ge [sflag:s13], $0x800  }
0x3a: {  	s21 =	smov.u32 s23;
	[sflag:s13] =	ssyncset.done $0x0  }
0x3b: {  	s20 =	sadd.s32 s20, s11;
	[sflag:s13] =	ssyncadd.s32 $0xFFFFF800  }
0x3c: {  	[tilespmem:s14], [sflag:$0x1] =	stream.linear.gather [hbm4b:s20+s3], $0x80, $0x38;
	[tilespmem:$0xA880] =	vst v63  }
0x3d: {  	_ =	swait.ge [sflag:s13], $0x80  }
0x3e: {  	[sflag:s13] =	ssyncset.done $0x0  }
0x3f: {  	[sflag:s13] =	ssyncadd.s32 $0xFFFFFF80  }
0x40: {  	[spmem:s2] =	stream.indirect.scatter.add.f32 [tilespmem:s16], [sflag:$0x1], $0x10, s14, s15, $0xb8;
	[tilespmem:$0xA880] =	vst v63  }
0x41: {  	_ =	swait.ge [sflag:s13], $0x800  }
0x42: {  	s19 =	sadd.s32 $0x1, s19;
	[sflag:s13] =	ssyncset.done $0x0  }
0x43: {  	p0 =	sne.s32 s19, s10;
	[sflag:s13] =	ssyncadd.s32 $0xFFFFF800  }
.Ltmp2:
0x44: {  	[bflag:$0x0] =	sbarrier.arrive $0xFFFF;
	(pc) =	sbr.rel @p0 .LBB2_1-.Ltmp2, $4  }
0x45: {  	[hbm:s9], [sflag:s17] =	dma.local [spmem:s18], $0x2800  }
0x46: {  	_ =	swait.ge [sflag:s13], $0x2800  }
0x47: {  	[sflag:s13] =	ssyncset.done $0x0  }
0x48: {  	[sflag:s13] =	ssyncadd.s32 $0xFFFFD800  }
0x49: {  	_ =	sfence.sel $0x180000  }
0x4a: {  	[bflag:$0x0] =	sbarrier.arrive $0xFFFF  }
0x4b: {  	p0 =	sne.s32 s0, $0x0;
	_ =	strace $0x90000047  }
0x4c: {  	s0 =	sadd.s32 @!p0 $0x100000, s1;
	[bflag:$0x2] =	sbarrier.arrive $0xFFFF  }
0x4d: {  	[sflag:s0] =	ssyncadd.tile.s32 @!p0 $0x1;
	_ =	shalt  }
.Lfunc_end2:
_tile_overlayer_lowered:
.L_overlay_start_2:
0x4e: {  	(tag) =	ssettag $0x2  }
0x4f: {  	s0 =	rddreg [dreg:$0x0];
	s2 =	stileid.u32  }
0x50: {  	s1 =	rddreg [dreg:$0x1];
	p0 =	sne.s32 s2, $0x0  }
0x51: {  	s3 =	rddreg [dreg:$0x2];
	[bflag:$0x3] =	sbarrier.arrive $0xFFFF;
	s2 =	simm.s32 @!p0 $0x1C01  }
0x52: {  	[timem:s3], [sflag:s2] =	dma.local @!p0 [hbm:s0], s1  }
0x53: {  	s0 =	simm.s32 @!p0 $0x1  }
0x54: {  	_ =	swait.ge @!p0 [sflag:s0], s1  }
0x55: {  	s1 =	ssub.s32 @!p0 $0x0, s1;
	[sflag:s0] =	ssyncset.done @!p0 $0x0  }
0x56: {  	[sflag:s0] =	ssyncadd.s32 @!p0 s1  }
0x57: {  	[bflag:$0x3] =	sbarrier.arrive $0xFFFF  }
0x58: {  	_ =	shalt  }

</sc_bundles>
